<compile_context>
chip_gen: v7x
topology: tpu7x:2x2x1
jax: 0.10.2.dev20260603
libtpu: 0.0.44.dev20260713+nightly
codegen_flags: <defaults>
</compile_context>

<pallas_src>
import functools

import jax
import jax.numpy as jnp
from jax import lax
from jax.experimental import pallas as pl
from jax.experimental.pallas import tpu as pltpu
from jax.experimental.pallas import tpu_sc as plsc

_BANK = 100000
_BATCH = 16384
_D = 128

_NC = 2
_NS = 16
_NW = _NC * _NS

_SC_ROWS = 32768
_PER_W = _SC_ROWS // _NW
_CHUNK = 128
_NBUF = 4
_SIZES = [_CHUNK] * (_PER_W // _CHUNK)

_TC_BLK = 8192
_NORM_BLKS = _BATCH // _TC_BLK
_SC_BLKS = _SC_ROWS // _TC_BLK
_COPY0 = (_BATCH + _SC_ROWS) // _TC_BLK
_NBLKS = (_BANK + _TC_BLK - 1) // _TC_BLK
_TC_GRID = _NORM_BLKS + (_NBLKS - _COPY0)


def _sc_copy_body(bank_hbm, out_hbm, buf, sem_in, sem_out):
    c = lax.axis_index("c")
    s = lax.axis_index("s")
    wid = s * _NC + c
    base = _BATCH + wid * _PER_W
    dst = wid * _PER_W
    offs = [sum(_SIZES[:i]) for i in range(len(_SIZES))]
    n = len(_SIZES)

    def start_in(i):
        return pltpu.async_copy(
            bank_hbm.at[pl.ds(base + offs[i], _SIZES[i])],
            buf.at[i % _NBUF, pl.ds(0, _SIZES[i])],
            sem_in[i % _NBUF],
        )

    def start_out(i):
        return pltpu.async_copy(
            buf.at[i % _NBUF, pl.ds(0, _SIZES[i])],
            out_hbm.at[pl.ds(dst + offs[i], _SIZES[i])],
            sem_out[i % _NBUF],
        )

    h_in = [None] * n
    h_out = [None] * n
    ahead = 2
    for j in range(min(ahead, n)):
        h_in[j] = start_in(j)
    for i in range(n):
        if i + ahead - _NBUF >= 0:
            h_out[i + ahead - _NBUF].wait()
        if i + ahead < n:
            h_in[i + ahead] = start_in(i + ahead)
        h_in[i].wait()
        h_out[i] = start_out(i)
    for i in range(max(0, n - _NBUF + ahead), n):
        h_out[i].wait()


@functools.partial(
    pl.kernel,
    out_type=jax.ShapeDtypeStruct((_SC_ROWS, _D), jnp.float32),
    mesh=plsc.VectorSubcoreMesh(core_axis_name="c", subcore_axis_name="s"),
    scratch_types=[
        pltpu.VMEM((_NBUF, _CHUNK, _D), jnp.float32),
        [pltpu.SemaphoreType.DMA] * _NBUF,
        [pltpu.SemaphoreType.DMA] * _NBUF,
    ],
)
def _sc_copy(bank_hbm, out_hbm, buf, sem_in, sem_out):
    _sc_copy_body(bank_hbm, out_hbm, buf, sem_in, sem_out)


def _tc_big_body(feats_ref, bank_ref, out_ref):
    g = pl.program_id(0)

    @pl.when(g < _NORM_BLKS)
    def _():
        x = feats_ref[...]
        n2 = jnp.sum(x * x, axis=1, keepdims=True)
        out_ref[...] = x * jax.lax.rsqrt(jnp.maximum(n2, 1e-24))

    @pl.when(g >= _NORM_BLKS)
    def _():
        out_ref[...] = bank_ref[...]


def kernel(feats, bank):
    sc_part = _sc_copy(bank)
    big = pl.pallas_call(
        _tc_big_body,
        grid=(_TC_GRID,),
        in_specs=[
            pl.BlockSpec(
                (_TC_BLK, _D), lambda g: (jnp.minimum(g, _NORM_BLKS - 1), 0)
            ),
            pl.BlockSpec(
                (_TC_BLK, _D),
                lambda g: (jnp.maximum(g + _COPY0 - _NORM_BLKS, _COPY0), 0),
            ),
        ],
        out_specs=pl.BlockSpec(
            (_TC_BLK, _D),
            lambda g: (
                jnp.where(g < _NORM_BLKS, g, g + _COPY0 - _NORM_BLKS),
                0,
            ),
        ),
        out_shape=jax.ShapeDtypeStruct((_BANK, _D), jnp.float32),
    )(feats, bank)
    return jax.lax.dynamic_update_slice(big, sc_part, (_BATCH, 0))

# --- scband reference (transcript-rebuilt; emitter-appended) ---
"""Pipeline reference for scband-memory-bank-57844619542737 (READ-ONLY COPY).

The authoritative reference and input builder live on the scoring server;
editing this copy changes nothing except your own understanding.
"""

import jax, jax.numpy as jnp
import numpy as np

BANK_SIZE = 100000
FEAT_DIM = 128
BATCH = 16384


def setup_inputs(seed: int = 0) -> dict:
    key = jax.random.key(seed)
    k1, k2 = jax.random.split(key)
    feats = jax.random.normal(k1, (BATCH, FEAT_DIM), dtype=jnp.float32)
    # The bank buffer (stateful memory, modeled as an explicit input).
    bank = jax.random.normal(k2, (BANK_SIZE, FEAT_DIM), dtype=jnp.float32)
    return {"feats": feats, "bank": bank}


def reference(feats, bank):
    # Faithful translation of MemoryBank.update with momentum=None, ptr=0, valid=0.
    # F.normalize(feats, dim=1) with torch default eps=1e-12:
    norm = jnp.linalg.norm(feats, axis=1, keepdims=True)
    feats_n = feats / jnp.maximum(norm, 1e-12)

    K = bank.shape[0]
    B = feats_n.shape[0]
    ptr = 0  # fresh buffer state
    n_insert = min(B, K)
    end = ptr + n_insert
    # end <= K branch: single contiguous overwrite (FIFO, momentum is None)
    new_bank = bank.at[ptr:end].set(feats_n[:n_insert])
    # new_ptr = end % K ; new_valid = min(n_insert, K)  (int buffer state, not returned)
    return new_bank

if __name__ == "__main__":
    import jax
    _d = setup_inputs()
    print(jax.jit(kernel)(*tuple(_d.values())))

</pallas_src>

<mosaic_0001>
#map = affine_map<(d0, d1) -> (0, 0)>
module attributes {stable_mosaic.version = 14 : i64} {
  func.func @_sc_copy(%arg0: i32, %arg1: i32, %arg2: memref<100000x128xf32, #tpu.memory_space<hbm>>, %arg3: memref<32768x128xf32, #tpu.memory_space<hbm>>, %arg4: memref<4x128x128xf32, #tpu.memory_space<vmem>>, %arg5: memref<!tpu.dma_semaphore, #tpu.memory_space<semaphore_mem>>, %arg6: memref<!tpu.dma_semaphore, #tpu.memory_space<semaphore_mem>>, %arg7: memref<!tpu.dma_semaphore, #tpu.memory_space<semaphore_mem>>, %arg8: memref<!tpu.dma_semaphore, #tpu.memory_space<semaphore_mem>>, %arg9: memref<!tpu.dma_semaphore, #tpu.memory_space<semaphore_mem>>, %arg10: memref<!tpu.dma_semaphore, #tpu.memory_space<semaphore_mem>>, %arg11: memref<!tpu.dma_semaphore, #tpu.memory_space<semaphore_mem>>, %arg12: memref<!tpu.dma_semaphore, #tpu.memory_space<semaphore_mem>>) attributes {dimension_semantics = [#tpu.dimension_semantics<core_parallel>, #tpu.dimension_semantics<subcore_parallel>], iteration_bounds = array<i64: 2, 16>, scalar_prefetch = 0 : i64, scratch_operands = 9 : i64, tpu.core_type = #tpu.core_type<sc_vector_subcore>, window_params = [{transform_indices = #map}, {transform_indices = #map}]} {
    %mul3A = arith.constant 2 : i32
    %mul3A_0 = arith.muli %arg1, %mul3A : i32
    %add3A = arith.addi %mul3A_0, %arg0 : i32
    %mul3A_1 = arith.constant 1024 : i32
    %mul3A_2 = arith.muli %add3A, %mul3A_1 : i32
    %add3A_3 = arith.constant 16384 : i32
    %add3A_4 = arith.addi %add3A_3, %mul3A_2 : i32
    %mul3A_5 = arith.constant 1024 : i32
    %mul3A_6 = arith.muli %add3A, %mul3A_5 : i32
    %add3A_7 = arith.constant 0 : i32
    %add3A_8 = arith.addi %add3A_4, %add3A_7 : i32
    %dma_start3A = arith.constant 0 : i32
    %dma_start3A_9 = arith.constant 0 : i32
    %dma_start3A_10 = arith.constant 0 : i32
    %dma_start3A_11 = tpu.memref_slice %arg4[%dma_start3A, %dma_start3A_9, %dma_start3A_10] : memref<4x128x128xf32, #tpu.memory_space<vmem>> -> memref<1x128x128xf32, #tpu.memory_space<vmem>>
    %dma_start3A_12 = tpu.memref_squeeze %dma_start3A_11 : memref<1x128x128xf32, #tpu.memory_space<vmem>> -> memref<128x128xf32, #tpu.memory_space<vmem>>
    %dma_start3A_13 = arith.constant 0 : i32
    %dma_start3A_14 = tpu.memref_slice %arg2[%add3A_8, %dma_start3A_13] : memref<100000x128xf32, #tpu.memory_space<hbm>> -> memref<128x128xf32, #tpu.memory_space<hbm>>
    %dma_start3A_15 = arith.constant 0 : i32
    %dma_start3A_16 = arith.constant 0 : i32
    %dma_start3A_17 = tpu.memref_slice %arg4[%dma_start3A, %dma_start3A_15, %dma_start3A_16] : memref<4x128x128xf32, #tpu.memory_space<vmem>> -> memref<1x128x128xf32, #tpu.memory_space<vmem>>
    %dma_start3A_18 = tpu.memref_squeeze %dma_start3A_17 : memref<1x128x128xf32, #tpu.memory_space<vmem>> -> memref<128x128xf32, #tpu.memory_space<vmem>>
    %dma_start3A_19 = arith.constant 0 : i32
    %dma_start3A_20 = tpu.memref_slice %arg2[%add3A_8, %dma_start3A_19] : memref<100000x128xf32, #tpu.memory_space<hbm>> -> memref<128x128xf32, #tpu.memory_space<hbm>>
    tpu.enqueue_dma source(%dma_start3A_20 : memref<128x128xf32, #tpu.memory_space<hbm>>) target(%dma_start3A_18 : memref<128x128xf32, #tpu.memory_space<vmem>>) target_semaphore(%arg5 : memref<!tpu.dma_semaphore, #tpu.memory_space<semaphore_mem>>)
    %add3A_21 = arith.constant 128 : i32
    %add3A_22 = arith.addi %add3A_4, %add3A_21 : i32
    %dma_start3A_23 = arith.constant 1 : i32
    %dma_start3A_24 = arith.constant 0 : i32
    %dma_start3A_25 = arith.constant 0 : i32
    %dma_start3A_26 = tpu.memref_slice %arg4[%dma_start3A_23, %dma_start3A_24, %dma_start3A_25] : memref<4x128x128xf32, #tpu.memory_space<vmem>> -> memref<1x128x128xf32, #tpu.memory_space<vmem>>
    %dma_start3A_27 = tpu.memref_squeeze %dma_start3A_26 : memref<1x128x128xf32, #tpu.memory_space<vmem>> -> memref<128x128xf32, #tpu.memory_space<vmem>>
    %dma_start3A_28 = arith.constant 0 : i32
    %dma_start3A_29 = tpu.memref_slice %arg2[%add3A_22, %dma_start3A_28] : memref<100000x128xf32, #tpu.memory_space<hbm>> -> memref<128x128xf32, #tpu.memory_space<hbm>>
    %dma_start3A_30 = arith.constant 0 : i32
    %dma_start3A_31 = arith.constant 0 : i32
    %dma_start3A_32 = tpu.memref_slice %arg4[%dma_start3A_23, %dma_start3A_30, %dma_start3A_31] : memref<4x128x128xf32, #tpu.memory_space<vmem>> -> memref<1x128x128xf32, #tpu.memory_space<vmem>>
    %dma_start3A_33 = tpu.memref_squeeze %dma_start3A_32 : memref<1x128x128xf32, #tpu.memory_space<vmem>> -> memref<128x128xf32, #tpu.memory_space<vmem>>
    %dma_start3A_34 = arith.constant 0 : i32
    %dma_start3A_35 = tpu.memref_slice %arg2[%add3A_22, %dma_start3A_34] : memref<100000x128xf32, #tpu.memory_space<hbm>> -> memref<128x128xf32, #tpu.memory_space<hbm>>
    tpu.enqueue_dma source(%dma_start3A_35 : memref<128x128xf32, #tpu.memory_space<hbm>>) target(%dma_start3A_33 : memref<128x128xf32, #tpu.memory_space<vmem>>) target_semaphore(%arg6 : memref<!tpu.dma_semaphore, #tpu.memory_space<semaphore_mem>>)
    %add3A_36 = arith.constant 256 : i32
    %add3A_37 = arith.addi %add3A_4, %add3A_36 : i32
    %dma_start3A_38 = arith.constant 2 : i32
    %dma_start3A_39 = arith.constant 0 : i32
    %dma_start3A_40 = arith.constant 0 : i32
    %dma_start3A_41 = tpu.memref_slice %arg4[%dma_start3A_38, %dma_start3A_39, %dma_start3A_40] : memref<4x128x128xf32, #tpu.memory_space<vmem>> -> memref<1x128x128xf32, #tpu.memory_space<vmem>>
    %dma_start3A_42 = tpu.memref_squeeze %dma_start3A_41 : memref<1x128x128xf32, #tpu.memory_space<vmem>> -> memref<128x128xf32, #tpu.memory_space<vmem>>
    %dma_start3A_43 = arith.constant 0 : i32
    %dma_start3A_44 = tpu.memref_slice %arg2[%add3A_37, %dma_start3A_43] : memref<100000x128xf32, #tpu.memory_space<hbm>> -> memref<128x128xf32, #tpu.memory_space<hbm>>
    %dma_start3A_45 = arith.constant 0 : i32
    %dma_start3A_46 = arith.constant 0 : i32
    %dma_start3A_47 = tpu.memref_slice %arg4[%dma_start3A_38, %dma_start3A_45, %dma_start3A_46] : memref<4x128x128xf32, #tpu.memory_space<vmem>> -> memref<1x128x128xf32, #tpu.memory_space<vmem>>
    %dma_start3A_48 = tpu.memref_squeeze %dma_start3A_47 : memref<1x128x128xf32, #tpu.memory_space<vmem>> -> memref<128x128xf32, #tpu.memory_space<vmem>>
    %dma_start3A_49 = arith.constant 0 : i32
    %dma_start3A_50 = tpu.memref_slice %arg2[%add3A_37, %dma_start3A_49] : memref<100000x128xf32, #tpu.memory_space<hbm>> -> memref<128x128xf32, #tpu.memory_space<hbm>>
    tpu.enqueue_dma source(%dma_start3A_50 : memref<128x128xf32, #tpu.memory_space<hbm>>) target(%dma_start3A_48 : memref<128x128xf32, #tpu.memory_space<vmem>>) target_semaphore(%arg7 : memref<!tpu.dma_semaphore, #tpu.memory_space<semaphore_mem>>)
    %dma_wait3A = arith.constant 0 : i32
    %dma_wait3A_51 = arith.constant 0 : i32
    %dma_wait3A_52 = arith.constant 0 : i32
    %dma_wait3A_53 = tpu.memref_slice %arg4[%dma_wait3A, %dma_wait3A_51, %dma_wait3A_52] : memref<4x128x128xf32, #tpu.memory_space<vmem>> -> memref<1x128x128xf32, #tpu.memory_space<vmem>>
    %dma_wait3A_54 = tpu.memref_squeeze %dma_wait3A_53 : memref<1x128x128xf32, #tpu.memory_space<vmem>> -> memref<128x128xf32, #tpu.memory_space<vmem>>
    %dma_wait3A_55 = arith.constant 0 : i32
    %dma_wait3A_56 = tpu.memref_slice %arg2[%add3A_8, %dma_wait3A_55] : memref<100000x128xf32, #tpu.memory_space<hbm>> -> memref<128x128xf32, #tpu.memory_space<hbm>>
    %dma_wait3A_57 = arith.constant 0 : i32
    %dma_wait3A_58 = arith.constant 0 : i32
    %dma_wait3A_59 = tpu.memref_slice %arg4[%dma_wait3A, %dma_wait3A_57, %dma_wait3A_58] : memref<4x128x128xf32, #tpu.memory_space<vmem>> -> memref<1x128x128xf32, #tpu.memory_space<vmem>>
    %dma_wait3A_60 = tpu.memref_squeeze %dma_wait3A_59 : memref<1x128x128xf32, #tpu.memory_space<vmem>> -> memref<128x128xf32, #tpu.memory_space<vmem>>
    %dma_wait3A_61 = arith.constant 0 : i32
    %dma_wait3A_62 = tpu.memref_slice %arg2[%add3A_8, %dma_wait3A_61] : memref<100000x128xf32, #tpu.memory_space<hbm>> -> memref<128x128xf32, #tpu.memory_space<hbm>>
    tpu.wait_dma2 semaphore(%arg5 : memref<!tpu.dma_semaphore, #tpu.memory_space<semaphore_mem>>) src(%dma_wait3A_62 : memref<128x128xf32, #tpu.memory_space<hbm>>) dst(%dma_wait3A_60 : memref<128x128xf32, #tpu.memory_space<vmem>>)
    %add3A_63 = arith.constant 0 : i32
    %add3A_64 = arith.addi %mul3A_6, %add3A_63 : i32
    %dma_start3A_65 = arith.constant 0 : i32
    %dma_start3A_66 = arith.constant 0 : i32
    %dma_start3A_67 = arith.constant 0 : i32
    %dma_start3A_68 = tpu.memref_slice %arg4[%dma_start3A_65, %dma_start3A_66, %dma_start3A_67] : memref<4x128x128xf32, #tpu.memory_space<vmem>> -> memref<1x128x128xf32, #tpu.memory_space<vmem>>
    %dma_start3A_69 = tpu.memref_squeeze %dma_start3A_68 : memref<1x128x128xf32, #tpu.memory_space<vmem>> -> memref<128x128xf32, #tpu.memory_space<vmem>>
    %dma_start3A_70 = arith.constant 0 : i32
    %dma_start3A_71 = tpu.memref_slice %arg3[%add3A_64, %dma_start3A_70] : memref<32768x128xf32, #tpu.memory_space<hbm>> -> memref<128x128xf32, #tpu.memory_space<hbm>>
    %dma_start3A_72 = arith.constant 0 : i32
    %dma_start3A_73 = tpu.memref_slice %arg3[%add3A_64, %dma_start3A_72] : memref<32768x128xf32, #tpu.memory_space<hbm>> -> memref<128x128xf32, #tpu.memory_space<hbm>>
    %dma_start3A_74 = arith.constant 0 : i32
    %dma_start3A_75 = arith.constant 0 : i32
    %dma_start3A_76 = tpu.memref_slice %arg4[%dma_start3A_65, %dma_start3A_74, %dma_start3A_75] : memref<4x128x128xf32, #tpu.memory_space<vmem>> -> memref<1x128x128xf32, #tpu.memory_space<vmem>>
    %dma_start3A_77 = tpu.memref_squeeze %dma_start3A_76 : memref<1x128x128xf32, #tpu.memory_space<vmem>> -> memref<128x128xf32, #tpu.memory_space<vmem>>
    tpu.enqueue_dma source(%dma_start3A_77 : memref<128x128xf32, #tpu.memory_space<vmem>>) target(%dma_start3A_73 : memref<128x128xf32, #tpu.memory_space<hbm>>) target_semaphore(%arg9 : memref<!tpu.dma_semaphore, #tpu.memory_space<semaphore_mem>>)
    %add3A_78 = arith.constant 384 : i32
    %add3A_79 = arith.addi %add3A_4, %add3A_78 : i32
    %dma_start3A_80 = arith.constant 3 : i32
    %dma_start3A_81 = arith.constant 0 : i32
    %dma_start3A_82 = arith.constant 0 : i32
    %dma_start3A_83 = tpu.memref_slice %arg4[%dma_start3A_80, %dma_start3A_81, %dma_start3A_82] : memref<4x128x128xf32, #tpu.memory_space<vmem>> -> memref<1x128x128xf32, #tpu.memory_space<vmem>>
    %dma_start3A_84 = tpu.memref_squeeze %dma_start3A_83 : memref<1x128x128xf32, #tpu.memory_space<vmem>> -> memref<128x128xf32, #tpu.memory_space<vmem>>
    %dma_start3A_85 = arith.constant 0 : i32
    %dma_start3A_86 = tpu.memref_slice %arg2[%add3A_79, %dma_start3A_85] : memref<100000x128xf32, #tpu.memory_space<hbm>> -> memref<128x128xf32, #tpu.memory_space<hbm>>
    %dma_start3A_87 = arith.constant 0 : i32
    %dma_start3A_88 = arith.constant 0 : i32
    %dma_start3A_89 = tpu.memref_slice %arg4[%dma_start3A_80, %dma_start3A_87, %dma_start3A_88] : memref<4x128x128xf32, #tpu.memory_space<vmem>> -> memref<1x128x128xf32, #tpu.memory_space<vmem>>
    %dma_start3A_90 = tpu.memref_squeeze %dma_start3A_89 : memref<1x128x128xf32, #tpu.memory_space<vmem>> -> memref<128x128xf32, #tpu.memory_space<vmem>>
    %dma_start3A_91 = arith.constant 0 : i32
    %dma_start3A_92 = tpu.memref_slice %arg2[%add3A_79, %dma_start3A_91] : memref<100000x128xf32, #tpu.memory_space<hbm>> -> memref<128x128xf32, #tpu.memory_space<hbm>>
    tpu.enqueue_dma source(%dma_start3A_92 : memref<128x128xf32, #tpu.memory_space<hbm>>) target(%dma_start3A_90 : memref<128x128xf32, #tpu.memory_space<vmem>>) target_semaphore(%arg8 : memref<!tpu.dma_semaphore, #tpu.memory_space<semaphore_mem>>)
    %dma_wait3A_93 = arith.constant 1 : i32
    %dma_wait3A_94 = arith.constant 0 : i32
    %dma_wait3A_95 = arith.constant 0 : i32
    %dma_wait3A_96 = tpu.memref_slice %arg4[%dma_wait3A_93, %dma_wait3A_94, %dma_wait3A_95] : memref<4x128x128xf32, #tpu.memory_space<vmem>> -> memref<1x128x128xf32, #tpu.memory_space<vmem>>
    %dma_wait3A_97 = tpu.memref_squeeze %dma_wait3A_96 : memref<1x128x128xf32, #tpu.memory_space<vmem>> -> memref<128x128xf32, #tpu.memory_space<vmem>>
    %dma_wait3A_98 = arith.constant 0 : i32
    %dma_wait3A_99 = tpu.memref_slice %arg2[%add3A_22, %dma_wait3A_98] : memref<100000x128xf32, #tpu.memory_space<hbm>> -> memref<128x128xf32, #tpu.memory_space<hbm>>
    %dma_wait3A_100 = arith.constant 0 : i32
    %dma_wait3A_101 = arith.constant 0 : i32
    %dma_wait3A_102 = tpu.memref_slice %arg4[%dma_wait3A_93, %dma_wait3A_100, %dma_wait3A_101] : memref<4x128x128xf32, #tpu.memory_space<vmem>> -> memref<1x128x128xf32, #tpu.memory_space<vmem>>
    %dma_wait3A_103 = tpu.memref_squeeze %dma_wait3A_102 : memref<1x128x128xf32, #tpu.memory_space<vmem>> -> memref<128x128xf32, #tpu.memory_space<vmem>>
    %dma_wait3A_104 = arith.constant 0 : i32
    %dma_wait3A_105 = tpu.memref_slice %arg2[%add3A_22, %dma_wait3A_104] : memref<100000x128xf32, #tpu.memory_space<hbm>> -> memref<128x128xf32, #tpu.memory_space<hbm>>
    tpu.wait_dma2 semaphore(%arg6 : memref<!tpu.dma_semaphore, #tpu.memory_space<semaphore_mem>>) src(%dma_wait3A_105 : memref<128x128xf32, #tpu.memory_space<hbm>>) dst(%dma_wait3A_103 : memref<128x128xf32, #tpu.memory_space<vmem>>)
    %add3A_106 = arith.constant 128 : i32
    %add3A_107 = arith.addi %mul3A_6, %add3A_106 : i32
    %dma_start3A_108 = arith.constant 1 : i32
    %dma_start3A_109 = arith.constant 0 : i32
    %dma_start3A_110 = arith.constant 0 : i32
    %dma_start3A_111 = tpu.memref_slice %arg4[%dma_start3A_108, %dma_start3A_109, %dma_start3A_110] : memref<4x128x128xf32, #tpu.memory_space<vmem>> -> memref<1x128x128xf32, #tpu.memory_space<vmem>>
    %dma_start3A_112 = tpu.memref_squeeze %dma_start3A_111 : memref<1x128x128xf32, #tpu.memory_space<vmem>> -> memref<128x128xf32, #tpu.memory_space<vmem>>
    %dma_start3A_113 = arith.constant 0 : i32
    %dma_start3A_114 = tpu.memref_slice %arg3[%add3A_107, %dma_start3A_113] : memref<32768x128xf32, #tpu.memory_space<hbm>> -> memref<128x128xf32, #tpu.memory_space<hbm>>
    %dma_start3A_115 = arith.constant 0 : i32
    %dma_start3A_116 = tpu.memref_slice %arg3[%add3A_107, %dma_start3A_115] : memref<32768x128xf32, #tpu.memory_space<hbm>> -> memref<128x128xf32, #tpu.memory_space<hbm>>
    %dma_start3A_117 = arith.constant 0 : i32
    %dma_start3A_118 = arith.constant 0 : i32
    %dma_start3A_119 = tpu.memref_slice %arg4[%dma_start3A_108, %dma_start3A_117, %dma_start3A_118] : memref<4x128x128xf32, #tpu.memory_space<vmem>> -> memref<1x128x128xf32, #tpu.memory_space<vmem>>
    %dma_start3A_120 = tpu.memref_squeeze %dma_start3A_119 : memref<1x128x128xf32, #tpu.memory_space<vmem>> -> memref<128x128xf32, #tpu.memory_space<vmem>>
    tpu.enqueue_dma source(%dma_start3A_120 : memref<128x128xf32, #tpu.memory_space<vmem>>) target(%dma_start3A_116 : memref<128x128xf32, #tpu.memory_space<hbm>>) target_semaphore(%arg10 : memref<!tpu.dma_semaphore, #tpu.memory_space<semaphore_mem>>)
    %dma_wait3A_121 = arith.constant 0 : i32
    %dma_wait3A_122 = arith.constant 0 : i32
    %dma_wait3A_123 = arith.constant 0 : i32
    %dma_wait3A_124 = tpu.memref_slice %arg4[%dma_wait3A_121, %dma_wait3A_122, %dma_wait3A_123] : memref<4x128x128xf32, #tpu.memory_space<vmem>> -> memref<1x128x128xf32, #tpu.memory_space<vmem>>
    %dma_wait3A_125 = tpu.memref_squeeze %dma_wait3A_124 : memref<1x128x128xf32, #tpu.memory_space<vmem>> -> memref<128x128xf32, #tpu.memory_space<vmem>>
    %dma_wait3A_126 = arith.constant 0 : i32
    %dma_wait3A_127 = tpu.memref_slice %arg3[%add3A_64, %dma_wait3A_126] : memref<32768x128xf32, #tpu.memory_space<hbm>> -> memref<128x128xf32, #tpu.memory_space<hbm>>
    %dma_wait3A_128 = arith.constant 0 : i32
    %dma_wait3A_129 = tpu.memref_slice %arg3[%add3A_64, %dma_wait3A_128] : memref<32768x128xf32, #tpu.memory_space<hbm>> -> memref<128x128xf32, #tpu.memory_space<hbm>>
    %dma_wait3A_130 = arith.constant 0 : i32
    %dma_wait3A_131 = arith.constant 0 : i32
    %dma_wait3A_132 = tpu.memref_slice %arg4[%dma_wait3A_121, %dma_wait3A_130, %dma_wait3A_131] : memref<4x128x128xf32, #tpu.memory_space<vmem>> -> memref<1x128x128xf32, #tpu.memory_space<vmem>>
    %dma_wait3A_133 = tpu.memref_squeeze %dma_wait3A_132 : memref<1x128x128xf32, #tpu.memory_space<vmem>> -> memref<128x128xf32, #tpu.memory_space<vmem>>
    tpu.wait_dma2 semaphore(%arg9 : memref<!tpu.dma_semaphore, #tpu.memory_space<semaphore_mem>>) src(%dma_wait3A_133 : memref<128x128xf32, #tpu.memory_space<vmem>>) dst(%dma_wait3A_129 : memref<128x128xf32, #tpu.memory_space<hbm>>)
    %add3A_134 = arith.constant 512 : i32
    %add3A_135 = arith.addi %add3A_4, %add3A_134 : i32
    %dma_start3A_136 = arith.constant 0 : i32
    %dma_start3A_137 = arith.constant 0 : i32
    %dma_start3A_138 = arith.constant 0 : i32
    %dma_start3A_139 = tpu.memref_slice %arg4[%dma_start3A_136, %dma_start3A_137, %dma_start3A_138] : memref<4x128x128xf32, #tpu.memory_space<vmem>> -> memref<1x128x128xf32, #tpu.memory_space<vmem>>
    %dma_start3A_140 = tpu.memref_squeeze %dma_start3A_139 : memref<1x128x128xf32, #tpu.memory_space<vmem>> -> memref<128x128xf32, #tpu.memory_space<vmem>>
    %dma_start3A_141 = arith.constant 0 : i32
    %dma_start3A_142 = tpu.memref_slice %arg2[%add3A_135, %dma_start3A_141] : memref<100000x128xf32, #tpu.memory_space<hbm>> -> memref<128x128xf32, #tpu.memory_space<hbm>>
    %dma_start3A_143 = arith.constant 0 : i32
    %dma_start3A_144 = arith.constant 0 : i32
    %dma_start3A_145 = tpu.memref_slice %arg4[%dma_start3A_136, %dma_start3A_143, %dma_start3A_144] : memref<4x128x128xf32, #tpu.memory_space<vmem>> -> memref<1x128x128xf32, #tpu.memory_space<vmem>>
    %dma_start3A_146 = tpu.memref_squeeze %dma_start3A_145 : memref<1x128x128xf32, #tpu.memory_space<vmem>> -> memref<128x128xf32, #tpu.memory_space<vmem>>
    %dma_start3A_147 = arith.constant 0 : i32
    %dma_start3A_148 = tpu.memref_slice %arg2[%add3A_135, %dma_start3A_147] : memref<100000x128xf32, #tpu.memory_space<hbm>> -> memref<128x128xf32, #tpu.memory_space<hbm>>
    tpu.enqueue_dma source(%dma_start3A_148 : memref<128x128xf32, #tpu.memory_space<hbm>>) target(%dma_start3A_146 : memref<128x128xf32, #tpu.memory_space<vmem>>) target_semaphore(%arg5 : memref<!tpu.dma_semaphore, #tpu.memory_space<semaphore_mem>>)
    %dma_wait3A_149 = arith.constant 2 : i32
    %dma_wait3A_150 = arith.constant 0 : i32
    %dma_wait3A_151 = arith.constant 0 : i32
    %dma_wait3A_152 = tpu.memref_slice %arg4[%dma_wait3A_149, %dma_wait3A_150, %dma_wait3A_151] : memref<4x128x128xf32, #tpu.memory_space<vmem>> -> memref<1x128x128xf32, #tpu.memory_space<vmem>>
    %dma_wait3A_153 = tpu.memref_squeeze %dma_wait3A_152 : memref<1x128x128xf32, #tpu.memory_space<vmem>> -> memref<128x128xf32, #tpu.memory_space<vmem>>
    %dma_wait3A_154 = arith.constant 0 : i32
    %dma_wait3A_155 = tpu.memref_slice %arg2[%add3A_37, %dma_wait3A_154] : memref<100000x128xf32, #tpu.memory_space<hbm>> -> memref<128x128xf32, #tpu.memory_space<hbm>>
    %dma_wait3A_156 = arith.constant 0 : i32
    %dma_wait3A_157 = arith.constant 0 : i32
    %dma_wait3A_158 = tpu.memref_slice %arg4[%dma_wait3A_149, %dma_wait3A_156, %dma_wait3A_157] : memref<4x128x128xf32, #tpu.memory_space<vmem>> -> memref<1x128x128xf32, #tpu.memory_space<vmem>>
    %dma_wait3A_159 = tpu.memref_squeeze %dma_wait3A_158 : memref<1x128x128xf32, #tpu.memory_space<vmem>> -> memref<128x128xf32, #tpu.memory_space<vmem>>
    %dma_wait3A_160 = arith.constant 0 : i32
    %dma_wait3A_161 = tpu.memref_slice %arg2[%add3A_37, %dma_wait3A_160] : memref<100000x128xf32, #tpu.memory_space<hbm>> -> memref<128x128xf32, #tpu.memory_space<hbm>>
    tpu.wait_dma2 semaphore(%arg7 : memref<!tpu.dma_semaphore, #tpu.memory_space<semaphore_mem>>) src(%dma_wait3A_161 : memref<128x128xf32, #tpu.memory_space<hbm>>) dst(%dma_wait3A_159 : memref<128x128xf32, #tpu.memory_space<vmem>>)
    %add3A_162 = arith.constant 256 : i32
    %add3A_163 = arith.addi %mul3A_6, %add3A_162 : i32
    %dma_start3A_164 = arith.constant 2 : i32
    %dma_start3A_165 = arith.constant 0 : i32
    %dma_start3A_166 = arith.constant 0 : i32
    %dma_start3A_167 = tpu.memref_slice %arg4[%dma_start3A_164, %dma_start3A_165, %dma_start3A_166] : memref<4x128x128xf32, #tpu.memory_space<vmem>> -> memref<1x128x128xf32, #tpu.memory_space<vmem>>
    %dma_start3A_168 = tpu.memref_squeeze %dma_start3A_167 : memref<1x128x128xf32, #tpu.memory_space<vmem>> -> memref<128x128xf32, #tpu.memory_space<vmem>>
    %dma_start3A_169 = arith.constant 0 : i32
    %dma_start3A_170 = tpu.memref_slice %arg3[%add3A_163, %dma_start3A_169] : memref<32768x128xf32, #tpu.memory_space<hbm>> -> memref<128x128xf32, #tpu.memory_space<hbm>>
    %dma_start3A_171 = arith.constant 0 : i32
    %dma_start3A_172 = tpu.memref_slice %arg3[%add3A_163, %dma_start3A_171] : memref<32768x128xf32, #tpu.memory_space<hbm>> -> memref<128x128xf32, #tpu.memory_space<hbm>>
    %dma_start3A_173 = arith.constant 0 : i32
    %dma_start3A_174 = arith.constant 0 : i32
    %dma_start3A_175 = tpu.memref_slice %arg4[%dma_start3A_164, %dma_start3A_173, %dma_start3A_174] : memref<4x128x128xf32, #tpu.memory_space<vmem>> -> memref<1x128x128xf32, #tpu.memory_space<vmem>>
    %dma_start3A_176 = tpu.memref_squeeze %dma_start3A_175 : memref<1x128x128xf32, #tpu.memory_space<vmem>> -> memref<128x128xf32, #tpu.memory_space<vmem>>
    tpu.enqueue_dma source(%dma_start3A_176 : memref<128x128xf32, #tpu.memory_space<vmem>>) target(%dma_start3A_172 : memref<128x128xf32, #tpu.memory_space<hbm>>) target_semaphore(%arg11 : memref<!tpu.dma_semaphore, #tpu.memory_space<semaphore_mem>>)
    %dma_wait3A_177 = arith.constant 1 : i32
    %dma_wait3A_178 = arith.constant 0 : i32
    %dma_wait3A_179 = arith.constant 0 : i32
    %dma_wait3A_180 = tpu.memref_slice %arg4[%dma_wait3A_177, %dma_wait3A_178, %dma_wait3A_179] : memref<4x128x128xf32, #tpu.memory_space<vmem>> -> memref<1x128x128xf32, #tpu.memory_space<vmem>>
    %dma_wait3A_181 = tpu.memref_squeeze %dma_wait3A_180 : memref<1x128x128xf32, #tpu.memory_space<vmem>> -> memref<128x128xf32, #tpu.memory_space<vmem>>
    %dma_wait3A_182 = arith.constant 0 : i32
    %dma_wait3A_183 = tpu.memref_slice %arg3[%add3A_107, %dma_wait3A_182] : memref<32768x128xf32, #tpu.memory_space<hbm>> -> memref<128x128xf32, #tpu.memory_space<hbm>>
    %dma_wait3A_184 = arith.constant 0 : i32
    %dma_wait3A_185 = tpu.memref_slice %arg3[%add3A_107, %dma_wait3A_184] : memref<32768x128xf32, #tpu.memory_space<hbm>> -> memref<128x128xf32, #tpu.memory_space<hbm>>
    %dma_wait3A_186 = arith.constant 0 : i32
    %dma_wait3A_187 = arith.constant 0 : i32
    %dma_wait3A_188 = tpu.memref_slice %arg4[%dma_wait3A_177, %dma_wait3A_186, %dma_wait3A_187] : memref<4x128x128xf32, #tpu.memory_space<vmem>> -> memref<1x128x128xf32, #tpu.memory_space<vmem>>
    %dma_wait3A_189 = tpu.memref_squeeze %dma_wait3A_188 : memref<1x128x128xf32, #tpu.memory_space<vmem>> -> memref<128x128xf32, #tpu.memory_space<vmem>>
    tpu.wait_dma2 semaphore(%arg10 : memref<!tpu.dma_semaphore, #tpu.memory_space<semaphore_mem>>) src(%dma_wait3A_189 : memref<128x128xf32, #tpu.memory_space<vmem>>) dst(%dma_wait3A_185 : memref<128x128xf32, #tpu.memory_space<hbm>>)
    %add3A_190 = arith.constant 640 : i32
    %add3A_191 = arith.addi %add3A_4, %add3A_190 : i32
    %dma_start3A_192 = arith.constant 1 : i32
    %dma_start3A_193 = arith.constant 0 : i32
    %dma_start3A_194 = arith.constant 0 : i32
    %dma_start3A_195 = tpu.memref_slice %arg4[%dma_start3A_192, %dma_start3A_193, %dma_start3A_194] : memref<4x128x128xf32, #tpu.memory_space<vmem>> -> memref<1x128x128xf32, #tpu.memory_space<vmem>>
    %dma_start3A_196 = tpu.memref_squeeze %dma_start3A_195 : memref<1x128x128xf32, #tpu.memory_space<vmem>> -> memref<128x128xf32, #tpu.memory_space<vmem>>
    %dma_start3A_197 = arith.constant 0 : i32
    %dma_start3A_198 = tpu.memref_slice %arg2[%add3A_191, %dma_start3A_197] : memref<100000x128xf32, #tpu.memory_space<hbm>> -> memref<128x128xf32, #tpu.memory_space<hbm>>
    %dma_start3A_199 = arith.constant 0 : i32
    %dma_start3A_200 = arith.constant 0 : i32
    %dma_start3A_201 = tpu.memref_slice %arg4[%dma_start3A_192, %dma_start3A_199, %dma_start3A_200] : memref<4x128x128xf32, #tpu.memory_space<vmem>> -> memref<1x128x128xf32, #tpu.memory_space<vmem>>
    %dma_start3A_202 = tpu.memref_squeeze %dma_start3A_201 : memref<1x128x128xf32, #tpu.memory_space<vmem>> -> memref<128x128xf32, #tpu.memory_space<vmem>>
    %dma_start3A_203 = arith.constant 0 : i32
    %dma_start3A_204 = tpu.memref_slice %arg2[%add3A_191, %dma_start3A_203] : memref<100000x128xf32, #tpu.memory_space<hbm>> -> memref<128x128xf32, #tpu.memory_space<hbm>>
    tpu.enqueue_dma source(%dma_start3A_204 : memref<128x128xf32, #tpu.memory_space<hbm>>) target(%dma_start3A_202 : memref<128x128xf32, #tpu.memory_space<vmem>>) target_semaphore(%arg6 : memref<!tpu.dma_semaphore, #tpu.memory_space<semaphore_mem>>)
    %dma_wait3A_205 = arith.constant 3 : i32
    %dma_wait3A_206 = arith.constant 0 : i32
    %dma_wait3A_207 = arith.constant 0 : i32
    %dma_wait3A_208 = tpu.memref_slice %arg4[%dma_wait3A_205, %dma_wait3A_206, %dma_wait3A_207] : memref<4x128x128xf32, #tpu.memory_space<vmem>> -> memref<1x128x128xf32, #tpu.memory_space<vmem>>
    %dma_wait3A_209 = tpu.memref_squeeze %dma_wait3A_208 : memref<1x128x128xf32, #tpu.memory_space<vmem>> -> memref<128x128xf32, #tpu.memory_space<vmem>>
    %dma_wait3A_210 = arith.constant 0 : i32
    %dma_wait3A_211 = tpu.memref_slice %arg2[%add3A_79, %dma_wait3A_210] : memref<100000x128xf32, #tpu.memory_space<hbm>> -> memref<128x128xf32, #tpu.memory_space<hbm>>
    %dma_wait3A_212 = arith.constant 0 : i32
    %dma_wait3A_213 = arith.constant 0 : i32
    %dma_wait3A_214 = tpu.memref_slice %arg4[%dma_wait3A_205, %dma_wait3A_212, %dma_wait3A_213] : memref<4x128x128xf32, #tpu.memory_space<vmem>> -> memref<1x128x128xf32, #tpu.memory_space<vmem>>
    %dma_wait3A_215 = tpu.memref_squeeze %dma_wait3A_214 : memref<1x128x128xf32, #tpu.memory_space<vmem>> -> memref<128x128xf32, #tpu.memory_space<vmem>>
    %dma_wait3A_216 = arith.constant 0 : i32
    %dma_wait3A_217 = tpu.memref_slice %arg2[%add3A_79, %dma_wait3A_216] : memref<100000x128xf32, #tpu.memory_space<hbm>> -> memref<128x128xf32, #tpu.memory_space<hbm>>
    tpu.wait_dma2 semaphore(%arg8 : memref<!tpu.dma_semaphore, #tpu.memory_space<semaphore_mem>>) src(%dma_wait3A_217 : memref<128x128xf32, #tpu.memory_space<hbm>>) dst(%dma_wait3A_215 : memref<128x128xf32, #tpu.memory_space<vmem>>)
    %add3A_218 = arith.constant 384 : i32
    %add3A_219 = arith.addi %mul3A_6, %add3A_218 : i32
    %dma_start3A_220 = arith.constant 3 : i32
    %dma_start3A_221 = arith.constant 0 : i32
    %dma_start3A_222 = arith.constant 0 : i32
    %dma_start3A_223 = tpu.memref_slice %arg4[%dma_start3A_220, %dma_start3A_221, %dma_start3A_222] : memref<4x128x128xf32, #tpu.memory_space<vmem>> -> memref<1x128x128xf32, #tpu.memory_space<vmem>>
    %dma_start3A_224 = tpu.memref_squeeze %dma_start3A_223 : memref<1x128x128xf32, #tpu.memory_space<vmem>> -> memref<128x128xf32, #tpu.memory_space<vmem>>
    %dma_start3A_225 = arith.constant 0 : i32
    %dma_start3A_226 = tpu.memref_slice %arg3[%add3A_219, %dma_start3A_225] : memref<32768x128xf32, #tpu.memory_space<hbm>> -> memref<128x128xf32, #tpu.memory_space<hbm>>
    %dma_start3A_227 = arith.constant 0 : i32
    %dma_start3A_228 = tpu.memref_slice %arg3[%add3A_219, %dma_start3A_227] : memref<32768x128xf32, #tpu.memory_space<hbm>> -> memref<128x128xf32, #tpu.memory_space<hbm>>
    %dma_start3A_229 = arith.constant 0 : i32
    %dma_start3A_230 = arith.constant 0 : i32
    %dma_start3A_231 = tpu.memref_slice %arg4[%dma_start3A_220, %dma_start3A_229, %dma_start3A_230] : memref<4x128x128xf32, #tpu.memory_space<vmem>> -> memref<1x128x128xf32, #tpu.memory_space<vmem>>
    %dma_start3A_232 = tpu.memref_squeeze %dma_start3A_231 : memref<1x128x128xf32, #tpu.memory_space<vmem>> -> memref<128x128xf32, #tpu.memory_space<vmem>>
    tpu.enqueue_dma source(%dma_start3A_232 : memref<128x128xf32, #tpu.memory_space<vmem>>) target(%dma_start3A_228 : memref<128x128xf32, #tpu.memory_space<hbm>>) target_semaphore(%arg12 : memref<!tpu.dma_semaphore, #tpu.memory_space<semaphore_mem>>)
    %dma_wait3A_233 = arith.constant 2 : i32
    %dma_wait3A_234 = arith.constant 0 : i32
    %dma_wait3A_235 = arith.constant 0 : i32
    %dma_wait3A_236 = tpu.memref_slice %arg4[%dma_wait3A_233, %dma_wait3A_234, %dma_wait3A_235] : memref<4x128x128xf32, #tpu.memory_space<vmem>> -> memref<1x128x128xf32, #tpu.memory_space<vmem>>
    %dma_wait3A_237 = tpu.memref_squeeze %dma_wait3A_236 : memref<1x128x128xf32, #tpu.memory_space<vmem>> -> memref<128x128xf32, #tpu.memory_space<vmem>>
    %dma_wait3A_238 = arith.constant 0 : i32
    %dma_wait3A_239 = tpu.memref_slice %arg3[%add3A_163, %dma_wait3A_238] : memref<32768x128xf32, #tpu.memory_space<hbm>> -> memref<128x128xf32, #tpu.memory_space<hbm>>
    %dma_wait3A_240 = arith.constant 0 : i32
    %dma_wait3A_241 = tpu.memref_slice %arg3[%add3A_163, %dma_wait3A_240] : memref<32768x128xf32, #tpu.memory_space<hbm>> -> memref<128x128xf32, #tpu.memory_space<hbm>>
    %dma_wait3A_242 = arith.constant 0 : i32
    %dma_wait3A_243 = arith.constant 0 : i32
    %dma_wait3A_244 = tpu.memref_slice %arg4[%dma_wait3A_233, %dma_wait3A_242, %dma_wait3A_243] : memref<4x128x128xf32, #tpu.memory_space<vmem>> -> memref<1x128x128xf32, #tpu.memory_space<vmem>>
    %dma_wait3A_245 = tpu.memref_squeeze %dma_wait3A_244 : memref<1x128x128xf32, #tpu.memory_space<vmem>> -> memref<128x128xf32, #tpu.memory_space<vmem>>
    tpu.wait_dma2 semaphore(%arg11 : memref<!tpu.dma_semaphore, #tpu.memory_space<semaphore_mem>>) src(%dma_wait3A_245 : memref<128x128xf32, #tpu.memory_space<vmem>>) dst(%dma_wait3A_241 : memref<128x128xf32, #tpu.memory_space<hbm>>)
    %add3A_246 = arith.constant 768 : i32
    %add3A_247 = arith.addi %add3A_4, %add3A_246 : i32
    %dma_start3A_248 = arith.constant 2 : i32
    %dma_start3A_249 = arith.constant 0 : i32
    %dma_start3A_250 = arith.constant 0 : i32
    %dma_start3A_251 = tpu.memref_slice %arg4[%dma_start3A_248, %dma_start3A_249, %dma_start3A_250] : memref<4x128x128xf32, #tpu.memory_space<vmem>> -> memref<1x128x128xf32, #tpu.memory_space<vmem>>
    %dma_start3A_252 = tpu.memref_squeeze %dma_start3A_251 : memref<1x128x128xf32, #tpu.memory_space<vmem>> -> memref<128x128xf32, #tpu.memory_space<vmem>>
    %dma_start3A_253 = arith.constant 0 : i32
    %dma_start3A_254 = tpu.memref_slice %arg2[%add3A_247, %dma_start3A_253] : memref<100000x128xf32, #tpu.memory_space<hbm>> -> memref<128x128xf32, #tpu.memory_space<hbm>>
    %dma_start3A_255 = arith.constant 0 : i32
    %dma_start3A_256 = arith.constant 0 : i32
    %dma_start3A_257 = tpu.memref_slice %arg4[%dma_start3A_248, %dma_start3A_255, %dma_start3A_256] : memref<4x128x128xf32, #tpu.memory_space<vmem>> -> memref<1x128x128xf32, #tpu.memory_space<vmem>>
    %dma_start3A_258 = tpu.memref_squeeze %dma_start3A_257 : memref<1x128x128xf32, #tpu.memory_space<vmem>> -> memref<128x128xf32, #tpu.memory_space<vmem>>
    %dma_start3A_259 = arith.constant 0 : i32
    %dma_start3A_260 = tpu.memref_slice %arg2[%add3A_247, %dma_start3A_259] : memref<100000x128xf32, #tpu.memory_space<hbm>> -> memref<128x128xf32, #tpu.memory_space<hbm>>
    tpu.enqueue_dma source(%dma_start3A_260 : memref<128x128xf32, #tpu.memory_space<hbm>>) target(%dma_start3A_258 : memref<128x128xf32, #tpu.memory_space<vmem>>) target_semaphore(%arg7 : memref<!tpu.dma_semaphore, #tpu.memory_space<semaphore_mem>>)
    %dma_wait3A_261 = arith.constant 0 : i32
    %dma_wait3A_262 = arith.constant 0 : i32
    %dma_wait3A_263 = arith.constant 0 : i32
    %dma_wait3A_264 = tpu.memref_slice %arg4[%dma_wait3A_261, %dma_wait3A_262, %dma_wait3A_263] : memref<4x128x128xf32, #tpu.memory_space<vmem>> -> memref<1x128x128xf32, #tpu.memory_space<vmem>>
    %dma_wait3A_265 = tpu.memref_squeeze %dma_wait3A_264 : memref<1x128x128xf32, #tpu.memory_space<vmem>> -> memref<128x128xf32, #tpu.memory_space<vmem>>
    %dma_wait3A_266 = arith.constant 0 : i32
    %dma_wait3A_267 = tpu.memref_slice %arg2[%add3A_135, %dma_wait3A_266] : memref<100000x128xf32, #tpu.memory_space<hbm>> -> memref<128x128xf32, #tpu.memory_space<hbm>>
    %dma_wait3A_268 = arith.constant 0 : i32
    %dma_wait3A_269 = arith.constant 0 : i32
    %dma_wait3A_270 = tpu.memref_slice %arg4[%dma_wait3A_261, %dma_wait3A_268, %dma_wait3A_269] : memref<4x128x128xf32, #tpu.memory_space<vmem>> -> memref<1x128x128xf32, #tpu.memory_space<vmem>>
    %dma_wait3A_271 = tpu.memref_squeeze %dma_wait3A_270 : memref<1x128x128xf32, #tpu.memory_space<vmem>> -> memref<128x128xf32, #tpu.memory_space<vmem>>
    %dma_wait3A_272 = arith.constant 0 : i32
    %dma_wait3A_273 = tpu.memref_slice %arg2[%add3A_135, %dma_wait3A_272] : memref<100000x128xf32, #tpu.memory_space<hbm>> -> memref<128x128xf32, #tpu.memory_space<hbm>>
    tpu.wait_dma2 semaphore(%arg5 : memref<!tpu.dma_semaphore, #tpu.memory_space<semaphore_mem>>) src(%dma_wait3A_273 : memref<128x128xf32, #tpu.memory_space<hbm>>) dst(%dma_wait3A_271 : memref<128x128xf32, #tpu.memory_space<vmem>>)
    %add3A_274 = arith.constant 512 : i32
    %add3A_275 = arith.addi %mul3A_6, %add3A_274 : i32
    %dma_start3A_276 = arith.constant 0 : i32
    %dma_start3A_277 = arith.constant 0 : i32
    %dma_start3A_278 = arith.constant 0 : i32
    %dma_start3A_279 = tpu.memref_slice %arg4[%dma_start3A_276, %dma_start3A_277, %dma_start3A_278] : memref<4x128x128xf32, #tpu.memory_space<vmem>> -> memref<1x128x128xf32, #tpu.memory_space<vmem>>
    %dma_start3A_280 = tpu.memref_squeeze %dma_start3A_279 : memref<1x128x128xf32, #tpu.memory_space<vmem>> -> memref<128x128xf32, #tpu.memory_space<vmem>>
    %dma_start3A_281 = arith.constant 0 : i32
    %dma_start3A_282 = tpu.memref_slice %arg3[%add3A_275, %dma_start3A_281] : memref<32768x128xf32, #tpu.memory_space<hbm>> -> memref<128x128xf32, #tpu.memory_space<hbm>>
    %dma_start3A_283 = arith.constant 0 : i32
    %dma_start3A_284 = tpu.memref_slice %arg3[%add3A_275, %dma_start3A_283] : memref<32768x128xf32, #tpu.memory_space<hbm>> -> memref<128x128xf32, #tpu.memory_space<hbm>>
    %dma_start3A_285 = arith.constant 0 : i32
    %dma_start3A_286 = arith.constant 0 : i32
    %dma_start3A_287 = tpu.memref_slice %arg4[%dma_start3A_276, %dma_start3A_285, %dma_start3A_286] : memref<4x128x128xf32, #tpu.memory_space<vmem>> -> memref<1x128x128xf32, #tpu.memory_space<vmem>>
    %dma_start3A_288 = tpu.memref_squeeze %dma_start3A_287 : memref<1x128x128xf32, #tpu.memory_space<vmem>> -> memref<128x128xf32, #tpu.memory_space<vmem>>
    tpu.enqueue_dma source(%dma_start3A_288 : memref<128x128xf32, #tpu.memory_space<vmem>>) target(%dma_start3A_284 : memref<128x128xf32, #tpu.memory_space<hbm>>) target_semaphore(%arg9 : memref<!tpu.dma_semaphore, #tpu.memory_space<semaphore_mem>>)
    %dma_wait3A_289 = arith.constant 3 : i32
    %dma_wait3A_290 = arith.constant 0 : i32
    %dma_wait3A_291 = arith.constant 0 : i32
    %dma_wait3A_292 = tpu.memref_slice %arg4[%dma_wait3A_289, %dma_wait3A_290, %dma_wait3A_291] : memref<4x128x128xf32, #tpu.memory_space<vmem>> -> memref<1x128x128xf32, #tpu.memory_space<vmem>>
    %dma_wait3A_293 = tpu.memref_squeeze %dma_wait3A_292 : memref<1x128x128xf32, #tpu.memory_space<vmem>> -> memref<128x128xf32, #tpu.memory_space<vmem>>
    %dma_wait3A_294 = arith.constant 0 : i32
    %dma_wait3A_295 = tpu.memref_slice %arg3[%add3A_219, %dma_wait3A_294] : memref<32768x128xf32, #tpu.memory_space<hbm>> -> memref<128x128xf32, #tpu.memory_space<hbm>>
    %dma_wait3A_296 = arith.constant 0 : i32
    %dma_wait3A_297 = tpu.memref_slice %arg3[%add3A_219, %dma_wait3A_296] : memref<32768x128xf32, #tpu.memory_space<hbm>> -> memref<128x128xf32, #tpu.memory_space<hbm>>
    %dma_wait3A_298 = arith.constant 0 : i32
    %dma_wait3A_299 = arith.constant 0 : i32
    %dma_wait3A_300 = tpu.memref_slice %arg4[%dma_wait3A_289, %dma_wait3A_298, %dma_wait3A_299] : memref<4x128x128xf32, #tpu.memory_space<vmem>> -> memref<1x128x128xf32, #tpu.memory_space<vmem>>
    %dma_wait3A_301 = tpu.memref_squeeze %dma_wait3A_300 : memref<1x128x128xf32, #tpu.memory_space<vmem>> -> memref<128x128xf32, #tpu.memory_space<vmem>>
    tpu.wait_dma2 semaphore(%arg12 : memref<!tpu.dma_semaphore, #tpu.memory_space<semaphore_mem>>) src(%dma_wait3A_301 : memref<128x128xf32, #tpu.memory_space<vmem>>) dst(%dma_wait3A_297 : memref<128x128xf32, #tpu.memory_space<hbm>>)
    %add3A_302 = arith.constant 896 : i32
    %add3A_303 = arith.addi %add3A_4, %add3A_302 : i32
    %dma_start3A_304 = arith.constant 3 : i32
    %dma_start3A_305 = arith.constant 0 : i32
    %dma_start3A_306 = arith.constant 0 : i32
    %dma_start3A_307 = tpu.memref_slice %arg4[%dma_start3A_304, %dma_start3A_305, %dma_start3A_306] : memref<4x128x128xf32, #tpu.memory_space<vmem>> -> memref<1x128x128xf32, #tpu.memory_space<vmem>>
    %dma_start3A_308 = tpu.memref_squeeze %dma_start3A_307 : memref<1x128x128xf32, #tpu.memory_space<vmem>> -> memref<128x128xf32, #tpu.memory_space<vmem>>
    %dma_start3A_309 = arith.constant 0 : i32
    %dma_start3A_310 = tpu.memref_slice %arg2[%add3A_303, %dma_start3A_309] : memref<100000x128xf32, #tpu.memory_space<hbm>> -> memref<128x128xf32, #tpu.memory_space<hbm>>
    %dma_start3A_311 = arith.constant 0 : i32
    %dma_start3A_312 = arith.constant 0 : i32
    %dma_start3A_313 = tpu.memref_slice %arg4[%dma_start3A_304, %dma_start3A_311, %dma_start3A_312] : memref<4x128x128xf32, #tpu.memory_space<vmem>> -> memref<1x128x128xf32, #tpu.memory_space<vmem>>
    %dma_start3A_314 = tpu.memref_squeeze %dma_start3A_313 : memref<1x128x128xf32, #tpu.memory_space<vmem>> -> memref<128x128xf32, #tpu.memory_space<vmem>>
    %dma_start3A_315 = arith.constant 0 : i32
    %dma_start3A_316 = tpu.memref_slice %arg2[%add3A_303, %dma_start3A_315] : memref<100000x128xf32, #tpu.memory_space<hbm>> -> memref<128x128xf32, #tpu.memory_space<hbm>>
    tpu.enqueue_dma source(%dma_start3A_316 : memref<128x128xf32, #tpu.memory_space<hbm>>) target(%dma_start3A_314 : memref<128x128xf32, #tpu.memory_space<vmem>>) target_semaphore(%arg8 : memref<!tpu.dma_semaphore, #tpu.memory_space<semaphore_mem>>)
    %dma_wait3A_317 = arith.constant 1 : i32
    %dma_wait3A_318 = arith.constant 0 : i32
    %dma_wait3A_319 = arith.constant 0 : i32
    %dma_wait3A_320 = tpu.memref_slice %arg4[%dma_wait3A_317, %dma_wait3A_318, %dma_wait3A_319] : memref<4x128x128xf32, #tpu.memory_space<vmem>> -> memref<1x128x128xf32, #tpu.memory_space<vmem>>
    %dma_wait3A_321 = tpu.memref_squeeze %dma_wait3A_320 : memref<1x128x128xf32, #tpu.memory_space<vmem>> -> memref<128x128xf32, #tpu.memory_space<vmem>>
    %dma_wait3A_322 = arith.constant 0 : i32
    %dma_wait3A_323 = tpu.memref_slice %arg2[%add3A_191, %dma_wait3A_322] : memref<100000x128xf32, #tpu.memory_space<hbm>> -> memref<128x128xf32, #tpu.memory_space<hbm>>
    %dma_wait3A_324 = arith.constant 0 : i32
    %dma_wait3A_325 = arith.constant 0 : i32
    %dma_wait3A_326 = tpu.memref_slice %arg4[%dma_wait3A_317, %dma_wait3A_324, %dma_wait3A_325] : memref<4x128x128xf32, #tpu.memory_space<vmem>> -> memref<1x128x128xf32, #tpu.memory_space<vmem>>
    %dma_wait3A_327 = tpu.memref_squeeze %dma_wait3A_326 : memref<1x128x128xf32, #tpu.memory_space<vmem>> -> memref<128x128xf32, #tpu.memory_space<vmem>>
    %dma_wait3A_328 = arith.constant 0 : i32
    %dma_wait3A_329 = tpu.memref_slice %arg2[%add3A_191, %dma_wait3A_328] : memref<100000x128xf32, #tpu.memory_space<hbm>> -> memref<128x128xf32, #tpu.memory_space<hbm>>
    tpu.wait_dma2 semaphore(%arg6 : memref<!tpu.dma_semaphore, #tpu.memory_space<semaphore_mem>>) src(%dma_wait3A_329 : memref<128x128xf32, #tpu.memory_space<hbm>>) dst(%dma_wait3A_327 : memref<128x128xf32, #tpu.memory_space<vmem>>)
    %add3A_330 = arith.constant 640 : i32
    %add3A_331 = arith.addi %mul3A_6, %add3A_330 : i32
    %dma_start3A_332 = arith.constant 1 : i32
    %dma_start3A_333 = arith.constant 0 : i32
    %dma_start3A_334 = arith.constant 0 : i32
    %dma_start3A_335 = tpu.memref_slice %arg4[%dma_start3A_332, %dma_start3A_333, %dma_start3A_334] : memref<4x128x128xf32, #tpu.memory_space<vmem>> -> memref<1x128x128xf32, #tpu.memory_space<vmem>>
    %dma_start3A_336 = tpu.memref_squeeze %dma_start3A_335 : memref<1x128x128xf32, #tpu.memory_space<vmem>> -> memref<128x128xf32, #tpu.memory_space<vmem>>
    %dma_start3A_337 = arith.constant 0 : i32
    %dma_start3A_338 = tpu.memref_slice %arg3[%add3A_331, %dma_start3A_337] : memref<32768x128xf32, #tpu.memory_space<hbm>> -> memref<128x128xf32, #tpu.memory_space<hbm>>
    %dma_start3A_339 = arith.constant 0 : i32
    %dma_start3A_340 = tpu.memref_slice %arg3[%add3A_331, %dma_start3A_339] : memref<32768x128xf32, #tpu.memory_space<hbm>> -> memref<128x128xf32, #tpu.memory_space<hbm>>
    %dma_start3A_341 = arith.constant 0 : i32
    %dma_start3A_342 = arith.constant 0 : i32
    %dma_start3A_343 = tpu.memref_slice %arg4[%dma_start3A_332, %dma_start3A_341, %dma_start3A_342] : memref<4x128x128xf32, #tpu.memory_space<vmem>> -> memref<1x128x128xf32, #tpu.memory_space<vmem>>
    %dma_start3A_344 = tpu.memref_squeeze %dma_start3A_343 : memref<1x128x128xf32, #tpu.memory_space<vmem>> -> memref<128x128xf32, #tpu.memory_space<vmem>>
    tpu.enqueue_dma source(%dma_start3A_344 : memref<128x128xf32, #tpu.memory_space<vmem>>) target(%dma_start3A_340 : memref<128x128xf32, #tpu.memory_space<hbm>>) target_semaphore(%arg10 : memref<!tpu.dma_semaphore, #tpu.memory_space<semaphore_mem>>)
    %dma_wait3A_345 = arith.constant 0 : i32
    %dma_wait3A_346 = arith.constant 0 : i32
    %dma_wait3A_347 = arith.constant 0 : i32
    %dma_wait3A_348 = tpu.memref_slice %arg4[%dma_wait3A_345, %dma_wait3A_346, %dma_wait3A_347] : memref<4x128x128xf32, #tpu.memory_space<vmem>> -> memref<1x128x128xf32, #tpu.memory_space<vmem>>
    %dma_wait3A_349 = tpu.memref_squeeze %dma_wait3A_348 : memref<1x128x128xf32, #tpu.memory_space<vmem>> -> memref<128x128xf32, #tpu.memory_space<vmem>>
    %dma_wait3A_350 = arith.constant 0 : i32
    %dma_wait3A_351 = tpu.memref_slice %arg3[%add3A_275, %dma_wait3A_350] : memref<32768x128xf32, #tpu.memory_space<hbm>> -> memref<128x128xf32, #tpu.memory_space<hbm>>
    %dma_wait3A_352 = arith.constant 0 : i32
    %dma_wait3A_353 = tpu.memref_slice %arg3[%add3A_275, %dma_wait3A_352] : memref<32768x128xf32, #tpu.memory_space<hbm>> -> memref<128x128xf32, #tpu.memory_space<hbm>>
    %dma_wait3A_354 = arith.constant 0 : i32
    %dma_wait3A_355 = arith.constant 0 : i32
    %dma_wait3A_356 = tpu.memref_slice %arg4[%dma_wait3A_345, %dma_wait3A_354, %dma_wait3A_355] : memref<4x128x128xf32, #tpu.memory_space<vmem>> -> memref<1x128x128xf32, #tpu.memory_space<vmem>>
    %dma_wait3A_357 = tpu.memref_squeeze %dma_wait3A_356 : memref<1x128x128xf32, #tpu.memory_space<vmem>> -> memref<128x128xf32, #tpu.memory_space<vmem>>
    tpu.wait_dma2 semaphore(%arg9 : memref<!tpu.dma_semaphore, #tpu.memory_space<semaphore_mem>>) src(%dma_wait3A_357 : memref<128x128xf32, #tpu.memory_space<vmem>>) dst(%dma_wait3A_353 : memref<128x128xf32, #tpu.memory_space<hbm>>)
    %dma_wait3A_358 = arith.constant 2 : i32
    %dma_wait3A_359 = arith.constant 0 : i32
    %dma_wait3A_360 = arith.constant 0 : i32
    %dma_wait3A_361 = tpu.memref_slice %arg4[%dma_wait3A_358, %dma_wait3A_359, %dma_wait3A_360] : memref<4x128x128xf32, #tpu.memory_space<vmem>> -> memref<1x128x128xf32, #tpu.memory_space<vmem>>
    %dma_wait3A_362 = tpu.memref_squeeze %dma_wait3A_361 : memref<1x128x128xf32, #tpu.memory_space<vmem>> -> memref<128x128xf32, #tpu.memory_space<vmem>>
    %dma_wait3A_363 = arith.constant 0 : i32
    %dma_wait3A_364 = tpu.memref_slice %arg2[%add3A_247, %dma_wait3A_363] : memref<100000x128xf32, #tpu.memory_space<hbm>> -> memref<128x128xf32, #tpu.memory_space<hbm>>
    %dma_wait3A_365 = arith.constant 0 : i32
    %dma_wait3A_366 = arith.constant 0 : i32
    %dma_wait3A_367 = tpu.memref_slice %arg4[%dma_wait3A_358, %dma_wait3A_365, %dma_wait3A_366] : memref<4x128x128xf32, #tpu.memory_space<vmem>> -> memref<1x128x128xf32, #tpu.memory_space<vmem>>
    %dma_wait3A_368 = tpu.memref_squeeze %dma_wait3A_367 : memref<1x128x128xf32, #tpu.memory_space<vmem>> -> memref<128x128xf32, #tpu.memory_space<vmem>>
    %dma_wait3A_369 = arith.constant 0 : i32
    %dma_wait3A_370 = tpu.memref_slice %arg2[%add3A_247, %dma_wait3A_369] : memref<100000x128xf32, #tpu.memory_space<hbm>> -> memref<128x128xf32, #tpu.memory_space<hbm>>
    tpu.wait_dma2 semaphore(%arg7 : memref<!tpu.dma_semaphore, #tpu.memory_space<semaphore_mem>>) src(%dma_wait3A_370 : memref<128x128xf32, #tpu.memory_space<hbm>>) dst(%dma_wait3A_368 : memref<128x128xf32, #tpu.memory_space<vmem>>)
    %add3A_371 = arith.constant 768 : i32
    %add3A_372 = arith.addi %mul3A_6, %add3A_371 : i32
    %dma_start3A_373 = arith.constant 2 : i32
    %dma_start3A_374 = arith.constant 0 : i32
    %dma_start3A_375 = arith.constant 0 : i32
    %dma_start3A_376 = tpu.memref_slice %arg4[%dma_start3A_373, %dma_start3A_374, %dma_start3A_375] : memref<4x128x128xf32, #tpu.memory_space<vmem>> -> memref<1x128x128xf32, #tpu.memory_space<vmem>>
    %dma_start3A_377 = tpu.memref_squeeze %dma_start3A_376 : memref<1x128x128xf32, #tpu.memory_space<vmem>> -> memref<128x128xf32, #tpu.memory_space<vmem>>
    %dma_start3A_378 = arith.constant 0 : i32
    %dma_start3A_379 = tpu.memref_slice %arg3[%add3A_372, %dma_start3A_378] : memref<32768x128xf32, #tpu.memory_space<hbm>> -> memref<128x128xf32, #tpu.memory_space<hbm>>
    %dma_start3A_380 = arith.constant 0 : i32
    %dma_start3A_381 = tpu.memref_slice %arg3[%add3A_372, %dma_start3A_380] : memref<32768x128xf32, #tpu.memory_space<hbm>> -> memref<128x128xf32, #tpu.memory_space<hbm>>
    %dma_start3A_382 = arith.constant 0 : i32
    %dma_start3A_383 = arith.constant 0 : i32
    %dma_start3A_384 = tpu.memref_slice %arg4[%dma_start3A_373, %dma_start3A_382, %dma_start3A_383] : memref<4x128x128xf32, #tpu.memory_space<vmem>> -> memref<1x128x128xf32, #tpu.memory_space<vmem>>
    %dma_start3A_385 = tpu.memref_squeeze %dma_start3A_384 : memref<1x128x128xf32, #tpu.memory_space<vmem>> -> memref<128x128xf32, #tpu.memory_space<vmem>>
    tpu.enqueue_dma source(%dma_start3A_385 : memref<128x128xf32, #tpu.memory_space<vmem>>) target(%dma_start3A_381 : memref<128x128xf32, #tpu.memory_space<hbm>>) target_semaphore(%arg11 : memref<!tpu.dma_semaphore, #tpu.memory_space<semaphore_mem>>)
    %dma_wait3A_386 = arith.constant 1 : i32
    %dma_wait3A_387 = arith.constant 0 : i32
    %dma_wait3A_388 = arith.constant 0 : i32
    %dma_wait3A_389 = tpu.memref_slice %arg4[%dma_wait3A_386, %dma_wait3A_387, %dma_wait3A_388] : memref<4x128x128xf32, #tpu.memory_space<vmem>> -> memref<1x128x128xf32, #tpu.memory_space<vmem>>
    %dma_wait3A_390 = tpu.memref_squeeze %dma_wait3A_389 : memref<1x128x128xf32, #tpu.memory_space<vmem>> -> memref<128x128xf32, #tpu.memory_space<vmem>>
    %dma_wait3A_391 = arith.constant 0 : i32
    %dma_wait3A_392 = tpu.memref_slice %arg3[%add3A_331, %dma_wait3A_391] : memref<32768x128xf32, #tpu.memory_space<hbm>> -> memref<128x128xf32, #tpu.memory_space<hbm>>
    %dma_wait3A_393 = arith.constant 0 : i32
    %dma_wait3A_394 = tpu.memref_slice %arg3[%add3A_331, %dma_wait3A_393] : memref<32768x128xf32, #tpu.memory_space<hbm>> -> memref<128x128xf32, #tpu.memory_space<hbm>>
    %dma_wait3A_395 = arith.constant 0 : i32
    %dma_wait3A_396 = arith.constant 0 : i32
    %dma_wait3A_397 = tpu.memref_slice %arg4[%dma_wait3A_386, %dma_wait3A_395, %dma_wait3A_396] : memref<4x128x128xf32, #tpu.memory_space<vmem>> -> memref<1x128x128xf32, #tpu.memory_space<vmem>>
    %dma_wait3A_398 = tpu.memref_squeeze %dma_wait3A_397 : memref<1x128x128xf32, #tpu.memory_space<vmem>> -> memref<128x128xf32, #tpu.memory_space<vmem>>
    tpu.wait_dma2 semaphore(%arg10 : memref<!tpu.dma_semaphore, #tpu.memory_space<semaphore_mem>>) src(%dma_wait3A_398 : memref<128x128xf32, #tpu.memory_space<vmem>>) dst(%dma_wait3A_394 : memref<128x128xf32, #tpu.memory_space<hbm>>)
    %dma_wait3A_399 = arith.constant 3 : i32
    %dma_wait3A_400 = arith.constant 0 : i32
    %dma_wait3A_401 = arith.constant 0 : i32
    %dma_wait3A_402 = tpu.memref_slice %arg4[%dma_wait3A_399, %dma_wait3A_400, %dma_wait3A_401] : memref<4x128x128xf32, #tpu.memory_space<vmem>> -> memref<1x128x128xf32, #tpu.memory_space<vmem>>
    %dma_wait3A_403 = tpu.memref_squeeze %dma_wait3A_402 : memref<1x128x128xf32, #tpu.memory_space<vmem>> -> memref<128x128xf32, #tpu.memory_space<vmem>>
    %dma_wait3A_404 = arith.constant 0 : i32
    %dma_wait3A_405 = tpu.memref_slice %arg2[%add3A_303, %dma_wait3A_404] : memref<100000x128xf32, #tpu.memory_space<hbm>> -> memref<128x128xf32, #tpu.memory_space<hbm>>
    %dma_wait3A_406 = arith.constant 0 : i32
    %dma_wait3A_407 = arith.constant 0 : i32
    %dma_wait3A_408 = tpu.memref_slice %arg4[%dma_wait3A_399, %dma_wait3A_406, %dma_wait3A_407] : memref<4x128x128xf32, #tpu.memory_space<vmem>> -> memref<1x128x128xf32, #tpu.memory_space<vmem>>
    %dma_wait3A_409 = tpu.memref_squeeze %dma_wait3A_408 : memref<1x128x128xf32, #tpu.memory_space<vmem>> -> memref<128x128xf32, #tpu.memory_space<vmem>>
    %dma_wait3A_410 = arith.constant 0 : i32
    %dma_wait3A_411 = tpu.memref_slice %arg2[%add3A_303, %dma_wait3A_410] : memref<100000x128xf32, #tpu.memory_space<hbm>> -> memref<128x128xf32, #tpu.memory_space<hbm>>
    tpu.wait_dma2 semaphore(%arg8 : memref<!tpu.dma_semaphore, #tpu.memory_space<semaphore_mem>>) src(%dma_wait3A_411 : memref<128x128xf32, #tpu.memory_space<hbm>>) dst(%dma_wait3A_409 : memref<128x128xf32, #tpu.memory_space<vmem>>)
    %add3A_412 = arith.constant 896 : i32
    %add3A_413 = arith.addi %mul3A_6, %add3A_412 : i32
    %dma_start3A_414 = arith.constant 3 : i32
    %dma_start3A_415 = arith.constant 0 : i32
    %dma_start3A_416 = arith.constant 0 : i32
    %dma_start3A_417 = tpu.memref_slice %arg4[%dma_start3A_414, %dma_start3A_415, %dma_start3A_416] : memref<4x128x128xf32, #tpu.memory_space<vmem>> -> memref<1x128x128xf32, #tpu.memory_space<vmem>>
    %dma_start3A_418 = tpu.memref_squeeze %dma_start3A_417 : memref<1x128x128xf32, #tpu.memory_space<vmem>> -> memref<128x128xf32, #tpu.memory_space<vmem>>
    %dma_start3A_419 = arith.constant 0 : i32
    %dma_start3A_420 = tpu.memref_slice %arg3[%add3A_413, %dma_start3A_419] : memref<32768x128xf32, #tpu.memory_space<hbm>> -> memref<128x128xf32, #tpu.memory_space<hbm>>
    %dma_start3A_421 = arith.constant 0 : i32
    %dma_start3A_422 = tpu.memref_slice %arg3[%add3A_413, %dma_start3A_421] : memref<32768x128xf32, #tpu.memory_space<hbm>> -> memref<128x128xf32, #tpu.memory_space<hbm>>
    %dma_start3A_423 = arith.constant 0 : i32
    %dma_start3A_424 = arith.constant 0 : i32
    %dma_start3A_425 = tpu.memref_slice %arg4[%dma_start3A_414, %dma_start3A_423, %dma_start3A_424] : memref<4x128x128xf32, #tpu.memory_space<vmem>> -> memref<1x128x128xf32, #tpu.memory_space<vmem>>
    %dma_start3A_426 = tpu.memref_squeeze %dma_start3A_425 : memref<1x128x128xf32, #tpu.memory_space<vmem>> -> memref<128x128xf32, #tpu.memory_space<vmem>>
    tpu.enqueue_dma source(%dma_start3A_426 : memref<128x128xf32, #tpu.memory_space<vmem>>) target(%dma_start3A_422 : memref<128x128xf32, #tpu.memory_space<hbm>>) target_semaphore(%arg12 : memref<!tpu.dma_semaphore, #tpu.memory_space<semaphore_mem>>)
    %dma_wait3A_427 = arith.constant 2 : i32
    %dma_wait3A_428 = arith.constant 0 : i32
    %dma_wait3A_429 = arith.constant 0 : i32
    %dma_wait3A_430 = tpu.memref_slice %arg4[%dma_wait3A_427, %dma_wait3A_428, %dma_wait3A_429] : memref<4x128x128xf32, #tpu.memory_space<vmem>> -> memref<1x128x128xf32, #tpu.memory_space<vmem>>
    %dma_wait3A_431 = tpu.memref_squeeze %dma_wait3A_430 : memref<1x128x128xf32, #tpu.memory_space<vmem>> -> memref<128x128xf32, #tpu.memory_space<vmem>>
    %dma_wait3A_432 = arith.constant 0 : i32
    %dma_wait3A_433 = tpu.memref_slice %arg3[%add3A_372, %dma_wait3A_432] : memref<32768x128xf32, #tpu.memory_space<hbm>> -> memref<128x128xf32, #tpu.memory_space<hbm>>
    %dma_wait3A_434 = arith.constant 0 : i32
    %dma_wait3A_435 = tpu.memref_slice %arg3[%add3A_372, %dma_wait3A_434] : memref<32768x128xf32, #tpu.memory_space<hbm>> -> memref<128x128xf32, #tpu.memory_space<hbm>>
    %dma_wait3A_436 = arith.constant 0 : i32
    %dma_wait3A_437 = arith.constant 0 : i32
    %dma_wait3A_438 = tpu.memref_slice %arg4[%dma_wait3A_427, %dma_wait3A_436, %dma_wait3A_437] : memref<4x128x128xf32, #tpu.memory_space<vmem>> -> memref<1x128x128xf32, #tpu.memory_space<vmem>>
    %dma_wait3A_439 = tpu.memref_squeeze %dma_wait3A_438 : memref<1x128x128xf32, #tpu.memory_space<vmem>> -> memref<128x128xf32, #tpu.memory_space<vmem>>
    tpu.wait_dma2 semaphore(%arg11 : memref<!tpu.dma_semaphore, #tpu.memory_space<semaphore_mem>>) src(%dma_wait3A_439 : memref<128x128xf32, #tpu.memory_space<vmem>>) dst(%dma_wait3A_435 : memref<128x128xf32, #tpu.memory_space<hbm>>)
    %dma_wait3A_440 = arith.constant 3 : i32
    %dma_wait3A_441 = arith.constant 0 : i32
    %dma_wait3A_442 = arith.constant 0 : i32
    %dma_wait3A_443 = tpu.memref_slice %arg4[%dma_wait3A_440, %dma_wait3A_441, %dma_wait3A_442] : memref<4x128x128xf32, #tpu.memory_space<vmem>> -> memref<1x128x128xf32, #tpu.memory_space<vmem>>
    %dma_wait3A_444 = tpu.memref_squeeze %dma_wait3A_443 : memref<1x128x128xf32, #tpu.memory_space<vmem>> -> memref<128x128xf32, #tpu.memory_space<vmem>>
    %dma_wait3A_445 = arith.constant 0 : i32
    %dma_wait3A_446 = tpu.memref_slice %arg3[%add3A_413, %dma_wait3A_445] : memref<32768x128xf32, #tpu.memory_space<hbm>> -> memref<128x128xf32, #tpu.memory_space<hbm>>
    %dma_wait3A_447 = arith.constant 0 : i32
    %dma_wait3A_448 = tpu.memref_slice %arg3[%add3A_413, %dma_wait3A_447] : memref<32768x128xf32, #tpu.memory_space<hbm>> -> memref<128x128xf32, #tpu.memory_space<hbm>>
    %dma_wait3A_449 = arith.constant 0 : i32
    %dma_wait3A_450 = arith.constant 0 : i32
    %dma_wait3A_451 = tpu.memref_slice %arg4[%dma_wait3A_440, %dma_wait3A_449, %dma_wait3A_450] : memref<4x128x128xf32, #tpu.memory_space<vmem>> -> memref<1x128x128xf32, #tpu.memory_space<vmem>>
    %dma_wait3A_452 = tpu.memref_squeeze %dma_wait3A_451 : memref<1x128x128xf32, #tpu.memory_space<vmem>> -> memref<128x128xf32, #tpu.memory_space<vmem>>
    tpu.wait_dma2 semaphore(%arg12 : memref<!tpu.dma_semaphore, #tpu.memory_space<semaphore_mem>>) src(%dma_wait3A_452 : memref<128x128xf32, #tpu.memory_space<vmem>>) dst(%dma_wait3A_448 : memref<128x128xf32, #tpu.memory_space<hbm>>)
    return
  }
}

module attributes {stable_mosaic.version = 14 : i64} {
  func.func @_tc_big_body(%arg0: i32, %arg1: memref<8192x128xf32, #tpu.memory_space<vmem>>, %arg2: memref<8192x128xf32, #tpu.memory_space<vmem>>, %arg3: memref<8192x128xf32, #tpu.memory_space<vmem>>) attributes {dimension_semantics = [#tpu.dimension_semantics<arbitrary>], iteration_bounds = array<i64: 9>, scalar_prefetch = 0 : i64, scratch_operands = 0 : i64, tpu.core_type = #tpu.core_type<tc>, window_params = [{transform_indices = @transform_0, window_bounds = array<i64: 8192, 128>}, {transform_indices = @transform_1, window_bounds = array<i64: 8192, 128>}, {transform_indices = @transform_2, window_bounds = array<i64: 8192, 128>}]} {
    %lt3A = arith.constant 2 : i32
    %lt3A_0 = arith.cmpi slt, %arg0, %lt3A : i32
    %convert_element_type3A = arith.extui %lt3A_0 : i1 to i32
    %cond3A = arith.constant 0 : i32
    %cond3A_1 = arith.cmpi ne, %convert_element_type3A, %cond3A : i32
    scf.if %cond3A_1 {
      %get3A = arith.constant 0 : index
      %get3A_6 = arith.constant 0 : index
      %get3A_7 = vector.load %arg1[%get3A, %get3A_6] : memref<8192x128xf32, #tpu.memory_space<vmem>>, vector<8192x128xf32>
      %mul3A = arith.mulf %get3A_7, %get3A_7 : vector<8192x128xf32>
      %reduce_sum3A = arith.constant dense<0.000000e+00> : vector<8192xf32>
      %reduce_sum3A_8 = vector.multi_reduction <add>, %mul3A, %reduce_sum3A [1] : vector<8192x128xf32> to vector<8192xf32>
      %broadcast_in_dim3A = vector.shape_cast %reduce_sum3A_8 : vector<8192xf32> to vector<8192x1xf32>
      %max3A = arith.constant 1.000000e-24 : f32
      %max3A_9 = vector.broadcast %max3A : f32 to vector<8192x1xf32>
      %max3A_10 = arith.maximumf %broadcast_in_dim3A, %max3A_9 : vector<8192x1xf32>
      %rsqrt3A = math.rsqrt %max3A_10 : vector<8192x1xf32>
      %mul3A_11 = vector.broadcast %rsqrt3A : vector<8192x1xf32> to vector<8192x128xf32>
      %mul3A_12 = arith.mulf %get3A_7, %mul3A_11 : vector<8192x128xf32>
      %swap3A = arith.constant 0 : index
      %swap3A_13 = arith.constant 0 : index
      %swap3A_14 = vector.load %arg3[%swap3A, %swap3A_13] : memref<8192x128xf32, #tpu.memory_space<vmem>>, vector<8192x128xf32>
      tpu.vector_store %arg3[%swap3A, %swap3A_13], %mul3A_12 {strides = array<i32>} : memref<8192x128xf32, #tpu.memory_space<vmem>>, vector<8192x128xf32>,
    } else {
    }
    %ge3A = arith.constant 2 : i32
    %ge3A_2 = arith.cmpi sge, %arg0, %ge3A : i32
    %convert_element_type3A_3 = arith.extui %ge3A_2 : i1 to i32
    %cond3A_4 = arith.constant 0 : i32
    %cond3A_5 = arith.cmpi ne, %convert_element_type3A_3, %cond3A_4 : i32
    scf.if %cond3A_5 {
      %get3A = arith.constant 0 : index
      %get3A_6 = arith.constant 0 : index
      %get3A_7 = vector.load %arg2[%get3A, %get3A_6] : memref<8192x128xf32, #tpu.memory_space<vmem>>, vector<8192x128xf32>
      %swap3A = arith.constant 0 : index
      %swap3A_8 = arith.constant 0 : index
      %swap3A_9 = vector.load %arg3[%swap3A, %swap3A_8] : memref<8192x128xf32, #tpu.memory_space<vmem>>, vector<8192x128xf32>
      tpu.vector_store %arg3[%swap3A, %swap3A_8], %get3A_7 {strides = array<i32>} : memref<8192x128xf32, #tpu.memory_space<vmem>>, vector<8192x128xf32>,
    } else {
    }
    return
  }
  func.func @transform_0(%arg0: i32) -> (i32, i32) {
    %min3A = arith.constant 1 : i32
    %min3A_0 = arith.minsi %arg0, %min3A : i32
    %c0_i32 = arith.constant 0 : i32
    %c0_i32_1 = arith.constant 0 : i32
    return %min3A_0, %c0_i32 : i32, i32
  }
  func.func @transform_1(%arg0: i32) -> (i32, i32) {
    %add3A = arith.constant 6 : i32
    %add3A_0 = arith.addi %arg0, %add3A : i32
    %sub3A = arith.constant 2 : i32
    %sub3A_1 = arith.subi %add3A_0, %sub3A : i32
    %max3A = arith.constant 6 : i32
    %max3A_2 = arith.maxsi %sub3A_1, %max3A : i32
    %c0_i32 = arith.constant 0 : i32
    %c0_i32_3 = arith.constant 0 : i32
    return %max3A_2, %c0_i32 : i32, i32
  }
  func.func @transform_2(%arg0: i32) -> (i32, i32) {
    %lt3A = arith.constant 2 : i32
    %lt3A_0 = arith.cmpi slt, %arg0, %lt3A : i32
    %add3A = arith.constant 6 : i32
    %add3A_1 = arith.addi %arg0, %add3A : i32
    %sub3A = arith.constant 2 : i32
    %sub3A_2 = arith.subi %add3A_1, %sub3A : i32
    %select_n3A = arith.select %lt3A_0, %arg0, %sub3A_2 : i32
    %c0_i32 = arith.constant 0 : i32
    %c0_i32_3 = arith.constant 0 : i32
    return %select_n3A, %c0_i32 : i32, i32
  }
}

</mosaic_0001>

<sc_bundles>
// kernel: kernel.4.cloned.1.call-start
scs
__scs_entry_jumppad:
0x0: {  	(pc) =	sbr.rel $0x88, $3  }
0x1: {  	(tag) =	ssettag $0x0;
	lr =	simm.s32 $0x1  }
0x2: {  	[smem:$0x3F9F] =	sst lr;
	_ =	strace $0xD0000000  }
0x3: {  	_ = 	snop  }
0x4: {  	_ = 	snop  }
0x5: {  	_ = 	snop  }
0x6: {  	_ = 	snop  }
0x7: {  	_ = 	snop  }
__scs_overlays_trampoline_lowered:
0x8: {  	[smem:$0x3FAE] =	sst s0  }
0x9: {  	[smem:$0x3FAF] =	sst s1  }
0xa: {  	[smem:$0x3FB0] =	sst s2  }
0xb: {  	[smem:$0x3FB1] =	sst s3  }
0xc: {  	[smem:$0x3FB2] =	sst s4  }
0xd: {  	[smem:$0x3FB3] =	sst s5  }
0xe: {  	[smem:$0x3FB4] =	sst s6  }
0xf: {  	[smem:$0x3FB5] =	sst s7  }
0x10: {  	[smem:$0x3FB6] =	sst s8  }
0x11: {  	[smem:$0x3FB7] =	sst s9;
	s0 =	simm.s32 @!p0 $0x0  }
0x12: {  	s1 =	sld [smem:$0x3F9D];
	s0 =	simm.s32 @p0 $0x1  }
0x13: {  	[smem:$0x3FB8] =	sst s0;
	s0 =	simm.s32 @!p1 $0x0  }
0x14: {  	s2 =	sld [smem:$0x3F9C];
	s0 =	simm.s32 @p1 $0x1  }
0x15: {  	[smem:$0x3FB9] =	sst s0;
	s0 =	simm.s32 @!p2 $0x0  }
0x16: {  	s3 =	sld [smem:$0x3FDB];
	s0 =	simm.s32 @p2 $0x1  }
0x17: {  	s4 =	simm.s32 $0x1BF5;
	[smem:$0x3FBB] =	sst s0  }
0x18: {  	s0 =	sld [smem:$0x3F9E];
	_ =	swait.ge [sflag:s4], $0x0  }
0x19: {  	s7 =	sld [smem:$0x3F9F]  }
0x1a: {  	s8 =	sadd.s32 $0xFFFFE003, lr  }
0x1b: {  	s9 =	sadd.s32 $0xFFFFFEF7, lr;
	s5 =	simm.s32 $0xFFFFFFFF;
	p2 =	slt.u32 s8, $0xFFFFF086  }
0x1c: {  	p1 =	slt.u32 s9, $0xF7A;
	s5 =	simm.s32 @!p2 $0x0  }
0x1d: {  	s5 =	simm.s32 @p1 $0x1;
	p0 =	seq.s32 s7, s2  }
0x1e: {  	s7 =	smul.u32 @!p0 $0xF7A, s2;
	p2 =	seq.s32 @!p0 s5, $0x0  }
0x1f: {  	s9 =	smul.u32 $0xF7A, s1;
	s8 =	simm.s32 @!p0 $0x1BF5;
	p2 =	por !p2, p0  }
0x20: {  	[sflag:s8] =	ssyncset.s32 @!p0 $0xFFFFF086;
	s6 =	sadd.s32 @!p0 s3, s7;
	s7 =	simm.s32 @!p0 $0x108  }
0x21: {  	s3 =	sadd.s32 s3, s9;
	s6 =	sadd.s32 @!p0 $0x88, s6;
	s7 =	simm.s32 @p2 $0x1082  }
0x22: {  	[simem:s7], [sflag:s8] =	dma.local @!p0 [hbm:s6], $0xF7A  }
0x23: {  	s9 =	sor.u32 $0xD0000000, s2;
	s6 =	simm.s32 $0x108;
	_ =	swait.ge @!p0 [sflag:s8], $0x0  }
0x24: {  	s3 =	sadd.s32 $0x88, s3;
	s6 =	simm.s32 @!p1 $0x1082;
	[sflag:s4] =	ssyncset.s32 $0xFFFFF086  }
0x25: {  	[simem:s6], [sflag:s4] =	dma.local [hbm:s3], $0xF7A  }
0x26: {  	[smem:$0x3F9F] =	sst s1;
	(tag) =	ssettag s2;
	_ =	strace s9  }
0x27: {  	s1 =	sld [smem:$0x3FAF]  }
0x28: {  	s2 =	sld [smem:$0x3FB0]  }
0x29: {  	s4 =	sld [smem:$0x3FB2]  }
0x2a: {  	p0 =	seq.s32 s5, $0x0;
	s5 =	sld [smem:$0x3FB3]  }
0x2b: {  	s6 =	sld [smem:$0x3FB4]  }
0x2c: {  	s7 =	sld [smem:$0x3FB5]  }
0x2d: {  	s3 =	simm.s32 $0x108;
	s8 =	sld [smem:$0x3FB6]  }
0x2e: {  	s3 =	simm.s32 @!p0 $0x1082;
	s9 =	sld [smem:$0x3FB7]  }
0x2f: {  	lr =	sadd.s32 s0, s3;
	s0 =	sld [smem:$0x3FAE]  }
0x30: {  	s3 =	sld [smem:$0x3FB1]  }
0x31: {  	[smem:$0x3FBA] =	sst s10  }
0x32: {  	s10 =	sld [smem:$0x3FB8];
	_ =	sdelay $0x3  }
0x33: {  	p0 =	seq.s32 s10, $0x1;
	s10 =	sld [smem:$0x3FBA];
	_ =	sdelay $0x3  }
0x34: {  	[smem:$0x3FBA] =	sst s10  }
0x35: {  	s10 =	sld [smem:$0x3FB9];
	_ =	sdelay $0x3  }
0x36: {  	p1 =	seq.s32 s10, $0x1;
	s10 =	sld [smem:$0x3FBA];
	_ =	sdelay $0x3  }
0x37: {  	[smem:$0x3FBA] =	sst s10  }
0x38: {  	s10 =	sld [smem:$0x3FBB]  }
0x39: {  	_ = 	snop;
	(pc) =	sbr.ind lr, $3  }
0x3a: {  	_ = 	snop  }
0x3b: {  	_ = 	snop  }
0x3c: {  	p2 =	seq.s32 s10, $0x1;
	s10 =	sld [smem:$0x3FBA]  }
0x3d: {  	_ =	shalt  }
0x3e: {  	_ =	shalt  }
0x3f: {  	_ =	shalt  }
0x40: {  	_ =	shalt  }
0x41: {  	_ =	shalt  }
0x42: {  	_ =	shalt  }
0x43: {  	_ =	shalt  }
0x44: {  	_ =	shalt  }
0x45: {  	_ =	shalt  }
0x46: {  	_ =	shalt  }
0x47: {  	_ =	shalt  }
0x48: {  	_ =	shalt  }
0x49: {  	_ =	shalt  }
0x4a: {  	_ =	shalt  }
0x4b: {  	_ =	shalt  }
0x4c: {  	_ =	shalt  }
0x4d: {  	_ =	shalt  }
0x4e: {  	_ =	shalt  }
0x4f: {  	_ =	shalt  }
0x50: {  	_ =	shalt  }
0x51: {  	_ =	shalt  }
0x52: {  	_ =	shalt  }
0x53: {  	_ =	shalt  }
0x54: {  	_ =	shalt  }
0x55: {  	_ =	shalt  }
0x56: {  	_ =	shalt  }
0x57: {  	_ =	shalt  }
0x58: {  	_ =	shalt  }
0x59: {  	_ =	shalt  }
0x5a: {  	_ =	shalt  }
0x5b: {  	_ =	shalt  }
0x5c: {  	_ =	shalt  }
0x5d: {  	_ =	shalt  }
0x5e: {  	_ =	shalt  }
0x5f: {  	_ =	shalt  }
0x60: {  	_ =	shalt  }
0x61: {  	_ =	shalt  }
0x62: {  	_ =	shalt  }
0x63: {  	_ =	shalt  }
0x64: {  	_ =	shalt  }
0x65: {  	_ =	shalt  }
0x66: {  	_ =	shalt  }
0x67: {  	_ =	shalt  }
0x68: {  	_ =	shalt  }
0x69: {  	_ =	shalt  }
0x6a: {  	_ =	shalt  }
0x6b: {  	_ =	shalt  }
0x6c: {  	_ =	shalt  }
0x6d: {  	_ =	shalt  }
0x6e: {  	_ =	shalt  }
0x6f: {  	_ =	shalt  }
0x70: {  	_ =	shalt  }
0x71: {  	_ =	shalt  }
0x72: {  	_ =	shalt  }
0x73: {  	_ =	shalt  }
0x74: {  	_ =	shalt  }
0x75: {  	_ =	shalt  }
0x76: {  	_ =	shalt  }
0x77: {  	_ =	shalt  }
0x78: {  	_ =	shalt  }
0x79: {  	_ =	shalt  }
0x7a: {  	_ =	shalt  }
0x7b: {  	_ =	shalt  }
0x7c: {  	_ =	shalt  }
0x7d: {  	_ =	shalt  }
0x7e: {  	_ =	shalt  }
0x7f: {  	_ =	shalt  }
0x80: {  	_ =	shalt  }
0x81: {  	_ =	shalt  }
0x82: {  	_ =	shalt  }
0x83: {  	_ =	shalt  }
0x84: {  	_ =	shalt  }
0x85: {  	_ =	shalt  }
0x86: {  	_ =	shalt  }
0x87: {  	_ =	shalt  }
.Lfunc_end0:
.L_simem_size_0:
called_computation_lowered:
.L_overlay_start_0:
0x88: {  	s2 =	sld [smem:$0x3FD9]  }
0x89: {  	s3 =	sld [smem:$0x3FFE];
	_ =	sdelay $0x1  }
0x8a: {  	s1 =	srdreg.scid  }
0x8b: {  	s0 =	sand.u32 $0x1, s1  }
0x8c: {  	s17 =	sshll.u32 s0, $0xA;
	s2 =	sadd.s32 s3, s2  }
0x8d: {  	s2 =	sadd.s32 s2, s17  }
0x8e: {  	[smem:$0x3FC6] =	sst s2  }
0x8f: {  	_ = 	snop  }
0x90: {  	s2 =	sld [smem:$0x3FC8];
	(tm) =	ssettm $0x1  }
0x91: {  	s18 =	sld [smem:$0x3FFB];
	_ =	sdelay $0x3  }
0x92: {  	_ =	strace s18  }
0x93: {  	s3 =	sld [smem:$0x3FFC];
	_ =	sdelay $0x3  }
0x94: {  	_ =	strace s3  }
0x95: {  	s3 =	sld [smem:$0x3FFD];
	_ =	sdelay $0x3  }
0x96: {  	_ =	strace s3  }
0x97: {  	_ =	strace $0x8FFFFFFF  }
0x98: {  	s19 =	sld [smem:$0x3FDB];
	_ =	sdelay $0x1  }
0x99: {  	s4 =	simm.s32 $_scs_section_size  }
0x9a: {  	s5 =	simm.s32 $_size__tile_overlayer_lowered;
	s6 =	simm.s32 $_tile_overlayer_lowered  }
0x9b: {  	s22 =	simm.s32 $0x1BFF;
	s21 =	sshll.u32 s6, $0x1;
	s3 =	sadd.s32 s4, s19  }
0x9c: {  	s7 =	simm.s32 $0x0;
	s20 =	sshll.u32 s5, $0x1;
	s5 =	sadd.s32 s21, s3  }
0x9d: {  	[timem:s7], [sflag:s22] =	dma.local [hbm:s5], s20  }
0x9e: {  	_ =	swait.ge [sflag:s22], s20  }
0x9f: {  	s4 =	ssub.s32 $0x0, s20;
	[sflag:s22] =	ssyncset.done $0x0  }
0xa0: {  	[sflag:s22] =	ssyncadd.s32 s4;
	_ =	sdelay $0x1  }
0xa1: {  	s23 =	simm.s32 $0x1B8B  }
0xa2: {  	_ =	swait.ge [sflag:s23], $0x1  }
0xa3: {  	[sflag:s23] =	ssyncset.done $0x0  }
0xa4: {  	s25 =	simm.s32 $0x1B8E;
	s24 =	sld [smem:$0x3FFE];
	[sflag:s23] =	ssyncadd.s32 $0xFFFFFFFF  }
0xa5: {  	s26 =	simm.s32 $execute0_lowered;
	[smem:$0x3FD2] =	sst s25  }
0xa6: {  	s5 =	sshll.u32 s26, $0x1;
	_ =	strace $0x80000046;
	[dreg:$0x1] =	wrdreg $0xFFFFFFFF  }
0xa7: {  	s28 =	simm.s32 $_size_execute0_lowered;
	s3 =	sadd.s32 s3, s5;
	[dreg:$0x0] =	wrdreg $0x0  }
0xa8: {  	s5 =	sshll.u32 s28, $0x1;
	[dreg:$0x2] =	wrdreg s3  }
0xa9: {  	[dreg:$0x3] =	wrdreg s5  }
0xaa: {  	[dreg:$0x4] =	wrdreg $0xC0  }
0xab: {  	_ =	task [dreg:s7], $0x5FFFF  }
0xac: {  	[dreg:$0x1] =	wrdreg $0xFFFFFFFF  }
0xad: {  	[dreg:$0x0] =	wrdreg $0x60  }
0xae: {  	[dreg:$0x2] =	wrdreg s2  }
0xaf: {  	[dreg:$0x3] =	wrdreg s24  }
0xb0: {  	[dreg:$0x4] =	wrdreg $0x9  }
0xb1: {  	_ =	task.clear_ibuf [dreg:s7], $0x5FFFF;
	_ =	strace $0x90000046  }
0xb2: {  	s29 =	simm.s32 $0x9;
	_ =	strace $0x80000048  }
0xb3: {  	_ =	swait.ge [sflag:s29], $0x1  }
0xb4: {  	[sflag:s29] =	ssyncadd.s32 $0xFFFFFFFF  }
0xb5: {  	_ =	strace $0x90000048  }
0xb6: {  	_ =	sfence  }
0xb7: {  	s30 =	sld [smem:$0x0];
	_ =	sdelay $0x2  }
0xb8: {  	s31 =	sshll.u32 s1, $0xD;
	s1 =	sshrl.u32 s1, $0x2  }
0xb9: {  	s3 =	sand.u32 $0x4000, s31;
	s1 =	sadd.s32 s1, s30  }
0xba: {  	s0 =	sor.u32 s3, s0;
	s1 =	sshll.u32 s1, $0x11  }
0xbb: {  	s0 =	sor.u32 s1, s0  }
0xbc: {  	s0 =	sadd.s32 $0x8F2B, s0  }
0xbd: {  	[sflag:s0] =	ssyncadd.remote.s32 $0x1  }
0xbe: {  	_ =	sfence.sel $0xFFFF  }
0xbf: {  	[dreg:$0x0] =	wrdreg $0xFFFFFFFF;
	(pc) =	sbr.abs _section_cstart, $3  }
0xc0: {  	[dreg:$0x1] =	wrdreg $0xFFFFFFFF  }
0xc1: {  	_ =	task.clear_ibuf [dreg:s7], $0x2FFFF;
	_ =	strace $0x9FFFFFFF  }
0xc2: {  	(tm) =	ssettm $0x7FFFFFFF  }
0xc3: {  	_ =	shalt  }
tec
execute0_lowered:
.L_overlay_start_1:
0x0: {  	(tag) =	ssettag $0x1  }
0x1: {  	s1 =	srdreg.scid  }
0x2: {  	s0 =	stileid.u32;
	s30 =	sand.u32 $0x1, s1  }
0x3: {  	s4 =	sshll.u32 s0, $0xF;
	s5 =	sshll.u32 s30, $0xE  }
0x4: {  	s3 =	rddreg [dreg:$0x0];
	s2 =	simm.s32 $0x0;
	s10 =	sor.u32 s5, s4  }
0x5: {  	[smem:$0x7FF] =	sst s2;
	s26 =	sadd.s32 s3, s10  }
0x6: {  	s9 =	rddreg [dreg:$0x1];
	_ =	strace $0x80000047;
	s3 =	sadd.s32 $0x40000, s26  }
0x7: {  	[tilespmem:s2], [sflag:$0x1] =	stream.linear.gather [hbm4b:s3+s2], $0x4000, $0x38;
	[tilespmem:$0x10000] =	vst v63  }
0x8: {  	s5 =	simm.s32 $0x4000;
	s4 =	sadd.s32 $0x40800, s26  }
0x9: {  	[tilespmem:s5], [sflag:$0x2] =	stream.linear.gather [hbm4b:s4+s2], $0x4000, $0x38;
	[tilespmem:$0x10000] =	vst v63  }
0xa: {  	s7 =	simm.s32 $0x8000;
	s8 =	simm.s32 $0x1;
	s6 =	sadd.s32 $0x41000, s26  }
0xb: {  	[tilespmem:s7], [sflag:$0x3] =	stream.linear.gather [hbm4b:s6+s2], $0x4000, $0x38;
	[tilespmem:$0x10000] =	vst v63  }
0xc: {  	_ =	swait.ge [sflag:s8], $0x4000  }
0xd: {  	s31 =	sadd.s32 s10, s9;
	[sflag:s8] =	ssyncset.done $0x0  }
0xe: {  	s9 =	sadd.s32 $0x600, s31;
	[sflag:s8] =	ssyncadd.s32 $0xFFFFC000  }
0xf: {  	[hbm4b:s9+s2] =	stream.linear.scatter [tilespmem:s2], [sflag:$0x5], $0x4000, $0x38;
	[tilespmem:$0x10000] =	vst v63  }
0x10: {  	s11 =	simm.s32 $0xC000;
	s12 =	simm.s32 $0x2;
	s10 =	sadd.s32 $0x41800, s26  }
0x11: {  	[tilespmem:s11], [sflag:$0x4] =	stream.linear.gather [hbm4b:s10+s2], $0x4000, $0x38;
	[tilespmem:$0x10000] =	vst v63  }
0x12: {  	_ =	swait.ge [sflag:s12], $0x4000  }
0x13: {  	[sflag:s12] =	ssyncset.done $0x0  }
0x14: {  	s14 =	simm.s32 $0x5;
	s13 =	sadd.s32 $0xE00, s31;
	[sflag:s12] =	ssyncadd.s32 $0xFFFFC000  }
0x15: {  	[hbm4b:s13+s2] =	stream.linear.scatter [tilespmem:s5], [sflag:$0x6], $0x4000, $0x38;
	[tilespmem:$0x10000] =	vst v63  }
0x16: {  	_ =	swait.ge [sflag:s14], $0x4000  }
0x17: {  	[sflag:s14] =	ssyncset.done $0x0  }
0x18: {  	s16 =	simm.s32 $0x3;
	s15 =	sadd.s32 $0x42000, s26;
	[sflag:s14] =	ssyncadd.s32 $0xFFFFC000  }
0x19: {  	[tilespmem:s2], [sflag:$0x1] =	stream.linear.gather [hbm4b:s15+s2], $0x4000, $0x38;
	[tilespmem:$0x10000] =	vst v63  }
0x1a: {  	_ =	swait.ge [sflag:s16], $0x4000  }
0x1b: {  	[sflag:s16] =	ssyncset.done $0x0  }
0x1c: {  	s18 =	simm.s32 $0x6;
	s17 =	sadd.s32 $0x1600, s31;
	[sflag:s16] =	ssyncadd.s32 $0xFFFFC000  }
0x1d: {  	[hbm4b:s17+s2] =	stream.linear.scatter [tilespmem:s7], [sflag:$0x7], $0x4000, $0x38;
	[tilespmem:$0x10000] =	vst v63  }
0x1e: {  	_ =	swait.ge [sflag:s18], $0x4000  }
0x1f: {  	[sflag:s18] =	ssyncset.done $0x0  }
0x20: {  	s20 =	simm.s32 $0x4;
	s19 =	sadd.s32 $0x42800, s26;
	[sflag:s18] =	ssyncadd.s32 $0xFFFFC000  }
0x21: {  	[tilespmem:s5], [sflag:$0x2] =	stream.linear.gather [hbm4b:s19+s2], $0x4000, $0x38;
	[tilespmem:$0x10000] =	vst v63  }
0x22: {  	_ =	swait.ge [sflag:s20], $0x4000  }
0x23: {  	[sflag:s20] =	ssyncset.done $0x0  }
0x24: {  	s22 =	simm.s32 $0x7;
	s21 =	sadd.s32 $0x1E00, s31;
	[sflag:s20] =	ssyncadd.s32 $0xFFFFC000  }
0x25: {  	[hbm4b:s21+s2] =	stream.linear.scatter [tilespmem:s11], [sflag:$0x8], $0x4000, $0x38;
	[tilespmem:$0x10000] =	vst v63  }
0x26: {  	_ =	swait.ge [sflag:s22], $0x4000  }
0x27: {  	[sflag:s22] =	ssyncset.done $0x0  }
0x28: {  	s23 =	sadd.s32 $0x43000, s26;
	[sflag:s22] =	ssyncadd.s32 $0xFFFFC000  }
0x29: {  	[tilespmem:s7], [sflag:$0x3] =	stream.linear.gather [hbm4b:s23+s2], $0x4000, $0x38;
	[tilespmem:$0x10000] =	vst v63  }
0x2a: {  	_ =	swait.ge [sflag:s8], $0x4000  }
0x2b: {  	[sflag:s8] =	ssyncset.done $0x0  }
0x2c: {  	s25 =	simm.s32 $0x8;
	s24 =	sadd.s32 $0x2600, s31;
	[sflag:s8] =	ssyncadd.s32 $0xFFFFC000  }
0x2d: {  	[hbm4b:s24+s2] =	stream.linear.scatter [tilespmem:s2], [sflag:$0x5], $0x4000, $0x38;
	[tilespmem:$0x10000] =	vst v63  }
0x2e: {  	_ =	swait.ge [sflag:s25], $0x4000  }
0x2f: {  	[sflag:s25] =	ssyncset.done $0x0  }
0x30: {  	s26 =	sadd.s32 $0x43800, s26;
	[sflag:s25] =	ssyncadd.s32 $0xFFFFC000  }
0x31: {  	[tilespmem:s11], [sflag:$0x4] =	stream.linear.gather [hbm4b:s26+s2], $0x4000, $0x38;
	[tilespmem:$0x10000] =	vst v63  }
0x32: {  	_ =	swait.ge [sflag:s12], $0x4000  }
0x33: {  	[sflag:s12] =	ssyncset.done $0x0  }
0x34: {  	s28 =	sadd.s32 $0x2E00, s31;
	[sflag:s12] =	ssyncadd.s32 $0xFFFFC000  }
0x35: {  	[hbm4b:s28+s2] =	stream.linear.scatter [tilespmem:s5], [sflag:$0x6], $0x4000, $0x38;
	[tilespmem:$0x10000] =	vst v63  }
0x36: {  	_ =	swait.ge [sflag:s14], $0x4000  }
0x37: {  	[sflag:s14] =	ssyncset.done $0x0  }
0x38: {  	[sflag:s14] =	ssyncadd.s32 $0xFFFFC000  }
0x39: {  	_ =	swait.ge [sflag:s16], $0x4000  }
0x3a: {  	[sflag:s16] =	ssyncset.done $0x0  }
0x3b: {  	s29 =	sadd.s32 $0x3600, s31;
	[sflag:s16] =	ssyncadd.s32 $0xFFFFC000  }
0x3c: {  	[hbm4b:s29+s2] =	stream.linear.scatter [tilespmem:s7], [sflag:$0x7], $0x4000, $0x38;
	[tilespmem:$0x10000] =	vst v63  }
0x3d: {  	_ =	swait.ge [sflag:s18], $0x4000  }
0x3e: {  	s1 =	ssub.s32 $0x2, s30;
	[sflag:s18] =	ssyncset.done $0x0  }
0x3f: {  	s30 =	sadd.s32 $0x3E00, s31;
	s31 =	sshrl.u32 s1, $0x1;
	[sflag:s18] =	ssyncadd.s32 $0xFFFFC000  }
0x40: {  	s1 =	ssub.s32 s1, s31;
	_ =	swait.ge [sflag:s20], $0x4000  }
0x41: {  	s1 =	smax.u32 s1, $0x1;
	[sflag:s20] =	ssyncset.done $0x0  }
0x42: {  	p0 =	sne.s32 s1, $0x1;
	[sflag:s20] =	ssyncadd.s32 $0xFFFFC000  }
0x43: {  	[hbm4b:s30+s2] =	stream.linear.scatter [tilespmem:s11], [sflag:$0x8], $0x4000, $0x38;
	[tilespmem:$0x10000] =	vst v63  }
.Ltmp0:
0x44: {  	_ =	swait.ge [sflag:s22], $0x4000;
	(pc) =	sbr.rel @!p0 .LBB2_2-.Ltmp0, $4  }
0x45: {  	[sflag:s22] =	ssyncset.done $0x0  }
0x46: {  	[sflag:s22] =	ssyncadd.s32 $0xFFFFC000  }
0x47: {  	_ =	swait.ge [sflag:s25], $0x4000  }
0x48: {  	s31 =	sadd.s32 $0xFFFFFFFF, s1;
	[sflag:s25] =	ssyncset.done $0x0  }
.LBB2_1:
0x49: {  	p0 =	sne.s32 s31, $0x1;
	s31 =	sadd.s32 $0xFFFFFFFF, s31;
	[sflag:s25] =	ssyncadd.s32 $0xFFFFC000  }
0x4a: {  	[tilespmem:s2], [sflag:$0x1] =	stream.linear.gather [hbm4b:s3+s2], $0x4000, $0x38;
	[tilespmem:$0x10000] =	vst v63  }
0x4b: {  	_ = 	snop  }
0x4c: {  	[tilespmem:s5], [sflag:$0x2] =	stream.linear.gather [hbm4b:s4+s2], $0x4000, $0x38;
	[tilespmem:$0x10000] =	vst v63  }
0x4d: {  	_ = 	snop  }
0x4e: {  	[tilespmem:s7], [sflag:$0x3] =	stream.linear.gather [hbm4b:s6+s2], $0x4000, $0x38;
	[tilespmem:$0x10000] =	vst v63  }
0x4f: {  	_ =	swait.ge [sflag:s8], $0x4000  }
0x50: {  	[sflag:s8] =	ssyncset.done $0x0  }
0x51: {  	[sflag:s8] =	ssyncadd.s32 $0xFFFFC000  }
0x52: {  	[hbm4b:s9+s2] =	stream.linear.scatter [tilespmem:s2], [sflag:$0x5], $0x4000, $0x38;
	[tilespmem:$0x10000] =	vst v63  }
0x53: {  	_ = 	snop  }
0x54: {  	[tilespmem:s11], [sflag:$0x4] =	stream.linear.gather [hbm4b:s10+s2], $0x4000, $0x38;
	[tilespmem:$0x10000] =	vst v63  }
0x55: {  	_ =	swait.ge [sflag:s12], $0x4000  }
0x56: {  	[sflag:s12] =	ssyncset.done $0x0  }
0x57: {  	[sflag:s12] =	ssyncadd.s32 $0xFFFFC000  }
0x58: {  	[hbm4b:s13+s2] =	stream.linear.scatter [tilespmem:s5], [sflag:$0x6], $0x4000, $0x38;
	[tilespmem:$0x10000] =	vst v63  }
0x59: {  	_ =	swait.ge [sflag:s14], $0x4000  }
0x5a: {  	[sflag:s14] =	ssyncset.done $0x0  }
0x5b: {  	[sflag:s14] =	ssyncadd.s32 $0xFFFFC000  }
0x5c: {  	[tilespmem:s2], [sflag:$0x1] =	stream.linear.gather [hbm4b:s15+s2], $0x4000, $0x38;
	[tilespmem:$0x10000] =	vst v63  }
0x5d: {  	_ =	swait.ge [sflag:s16], $0x4000  }
0x5e: {  	[sflag:s16] =	ssyncset.done $0x0  }
0x5f: {  	[sflag:s16] =	ssyncadd.s32 $0xFFFFC000  }
0x60: {  	[hbm4b:s17+s2] =	stream.linear.scatter [tilespmem:s7], [sflag:$0x7], $0x4000, $0x38;
	[tilespmem:$0x10000] =	vst v63  }
0x61: {  	_ =	swait.ge [sflag:s18], $0x4000  }
0x62: {  	[sflag:s18] =	ssyncset.done $0x0  }
0x63: {  	[sflag:s18] =	ssyncadd.s32 $0xFFFFC000  }
0x64: {  	[tilespmem:s5], [sflag:$0x2] =	stream.linear.gather [hbm4b:s19+s2], $0x4000, $0x38;
	[tilespmem:$0x10000] =	vst v63  }
0x65: {  	_ =	swait.ge [sflag:s20], $0x4000  }
0x66: {  	[sflag:s20] =	ssyncset.done $0x0  }
0x67: {  	[sflag:s20] =	ssyncadd.s32 $0xFFFFC000  }
0x68: {  	[hbm4b:s21+s2] =	stream.linear.scatter [tilespmem:s11], [sflag:$0x8], $0x4000, $0x38;
	[tilespmem:$0x10000] =	vst v63  }
0x69: {  	_ =	swait.ge [sflag:s22], $0x4000  }
0x6a: {  	[sflag:s22] =	ssyncset.done $0x0  }
0x6b: {  	[sflag:s22] =	ssyncadd.s32 $0xFFFFC000  }
0x6c: {  	[tilespmem:s7], [sflag:$0x3] =	stream.linear.gather [hbm4b:s23+s2], $0x4000, $0x38;
	[tilespmem:$0x10000] =	vst v63  }
0x6d: {  	_ =	swait.ge [sflag:s8], $0x4000  }
0x6e: {  	[sflag:s8] =	ssyncset.done $0x0  }
0x6f: {  	[sflag:s8] =	ssyncadd.s32 $0xFFFFC000  }
0x70: {  	[hbm4b:s24+s2] =	stream.linear.scatter [tilespmem:s2], [sflag:$0x5], $0x4000, $0x38;
	[tilespmem:$0x10000] =	vst v63  }
0x71: {  	_ =	swait.ge [sflag:s25], $0x4000  }
0x72: {  	[sflag:s25] =	ssyncset.done $0x0  }
0x73: {  	[sflag:s25] =	ssyncadd.s32 $0xFFFFC000  }
0x74: {  	[tilespmem:s11], [sflag:$0x4] =	stream.linear.gather [hbm4b:s26+s2], $0x4000, $0x38;
	[tilespmem:$0x10000] =	vst v63  }
0x75: {  	_ =	swait.ge [sflag:s12], $0x4000  }
0x76: {  	[sflag:s12] =	ssyncset.done $0x0  }
0x77: {  	[sflag:s12] =	ssyncadd.s32 $0xFFFFC000  }
0x78: {  	[hbm4b:s28+s2] =	stream.linear.scatter [tilespmem:s5], [sflag:$0x6], $0x4000, $0x38;
	[tilespmem:$0x10000] =	vst v63  }
0x79: {  	_ =	swait.ge [sflag:s14], $0x4000  }
0x7a: {  	[sflag:s14] =	ssyncset.done $0x0  }
0x7b: {  	[sflag:s14] =	ssyncadd.s32 $0xFFFFC000  }
0x7c: {  	_ =	swait.ge [sflag:s16], $0x4000  }
0x7d: {  	[sflag:s16] =	ssyncset.done $0x0  }
0x7e: {  	[sflag:s16] =	ssyncadd.s32 $0xFFFFC000  }
0x7f: {  	[hbm4b:s29+s2] =	stream.linear.scatter [tilespmem:s7], [sflag:$0x7], $0x4000, $0x38;
	[tilespmem:$0x10000] =	vst v63  }
0x80: {  	_ =	swait.ge [sflag:s18], $0x4000  }
0x81: {  	[sflag:s18] =	ssyncset.done $0x0  }
0x82: {  	[sflag:s18] =	ssyncadd.s32 $0xFFFFC000  }
0x83: {  	_ =	swait.ge [sflag:s20], $0x4000  }
0x84: {  	[sflag:s20] =	ssyncset.done $0x0  }
0x85: {  	[sflag:s20] =	ssyncadd.s32 $0xFFFFC000  }
0x86: {  	[hbm4b:s30+s2] =	stream.linear.scatter [tilespmem:s11], [sflag:$0x8], $0x4000, $0x38;
	[tilespmem:$0x10000] =	vst v63  }
.Ltmp1:
0x87: {  	_ =	swait.ge [sflag:s22], $0x4000;
	(pc) =	sbr.rel @p0 .LBB2_1-.Ltmp1, $4  }
0x88: {  	[sflag:s22] =	ssyncset.done $0x0  }
0x89: {  	[sflag:s22] =	ssyncadd.s32 $0xFFFFC000  }
0x8a: {  	_ =	swait.ge [sflag:s25], $0x4000  }
0x8b: {  	[sflag:s25] =	ssyncset.done $0x0  }
.LBB2_2:
0x8c: {  	[sflag:s25] =	ssyncadd.s32 $0xFFFFC000  }
0x8d: {  	_ =	sfence.sel $0x180000  }
0x8e: {  	[bflag:$0x0] =	sbarrier.arrive $0xFFFF  }
0x8f: {  	_ =	strace $0x90000047  }
0x90: {  	[bflag:$0x2] =	sbarrier.arrive $0xFFFF  }
0x91: {  	p0 =	sne.s32 s0, $0x0;
	s0 =	rddreg [dreg:$0x2]  }
0x92: {  	s0 =	sadd.s32 @!p0 $0x100000, s0  }
0x93: {  	[sflag:s0] =	ssyncadd.tile.s32 @!p0 $0x1;
	_ =	shalt  }
.Lfunc_end2:
_tile_overlayer_lowered:
.L_overlay_start_2:
0x94: {  	(tag) =	ssettag $0x2  }
0x95: {  	s0 =	rddreg [dreg:$0x0];
	s2 =	stileid.u32  }
0x96: {  	s1 =	rddreg [dreg:$0x1];
	p0 =	sne.s32 s2, $0x0  }
0x97: {  	s3 =	rddreg [dreg:$0x2];
	[bflag:$0x3] =	sbarrier.arrive $0xFFFF;
	s2 =	simm.s32 @!p0 $0x1C09  }
0x98: {  	[timem:s3], [sflag:s2] =	dma.local @!p0 [hbm:s0], s1  }
0x99: {  	s0 =	simm.s32 @!p0 $0x9  }
0x9a: {  	_ =	swait.ge @!p0 [sflag:s0], s1  }
0x9b: {  	s1 =	ssub.s32 @!p0 $0x0, s1;
	[sflag:s0] =	ssyncset.done @!p0 $0x0  }
0x9c: {  	[sflag:s0] =	ssyncadd.s32 @!p0 s1  }
0x9d: {  	[bflag:$0x3] =	sbarrier.arrive $0xFFFF  }
0x9e: {  	_ =	shalt  }

</sc_bundles>
